<compile_context>
chip_gen: v7x
topology: tpu7x:2x2x1
jax: 0.10.2.dev20260603
libtpu: 0.0.44.dev20260713+nightly
codegen_flags: <defaults>
</compile_context>

<pallas_src>
import functools

import jax
import jax.numpy as jnp
from jax import lax
from jax.experimental import pallas as pl
from jax.experimental.pallas import tpu as pltpu
from jax.experimental.pallas import tpu_sc as plsc

L = 16
NCORES = 2
NSUB = 16
NTILES = NCORES * NSUB
E = 32
B = 4
SEQ = 8192
B_SC = 2
ROWS_SC = B_SC * SEQ
ROWS_PER_TILE = ROWS_SC // NTILES
TILES_PER_B = SEQ // ROWS_PER_TILE
GROUPS = ROWS_PER_TILE // L
RB = 8192


def _sorted2(a, b):
    return jnp.maximum(a, b), jnp.minimum(a, b)


def _merge22(a, b):
    c1, t1 = _sorted2(a[0], b[0])
    t2, c4 = _sorted2(a[1], b[1])
    c2, c3 = _sorted2(t1, t2)
    return [c1, c2, c3, c4]


def _merge44_top4(a, b):
    m = [jnp.maximum(a[i], b[3 - i]) for i in range(4)]
    p0, p2 = _sorted2(m[0], m[2])
    p1, p3 = _sorted2(m[1], m[3])
    q0, q1 = _sorted2(p0, p1)
    q2, q3 = _sorted2(p2, p3)
    return [q0, q1, q2, q3]


def _fourth_largest(v):
    two = [list(_sorted2(v[2 * i], v[2 * i + 1])) for i in range(16)]
    four = [_merge22(two[2 * i], two[2 * i + 1]) for i in range(8)]
    while len(four) > 2:
        four = [_merge44_top4(four[2 * i], four[2 * i + 1])
                for i in range(len(four) // 2)]
    m = [jnp.maximum(four[0][i], four[1][3 - i]) for i in range(4)]
    return jnp.minimum(jnp.minimum(m[0], m[1]), jnp.minimum(m[2], m[3]))


@functools.partial(
    pl.kernel,
    out_type=jax.ShapeDtypeStruct((NTILES, L), jnp.int32),
    mesh=plsc.VectorSubcoreMesh(core_axis_name="c", subcore_axis_name="s"),
    scratch_types=[
        pltpu.VMEM((ROWS_PER_TILE, E), jnp.float32),
        pltpu.VMEM((E * (L + 1),), jnp.float32),
        pltpu.VMEM((E * (L + 1),), jnp.float32),
        pltpu.VMEM((L,), jnp.int32),
    ],
    compiler_params=pltpu.CompilerParams(
        needs_layout_passes=False, use_tc_tiling_on_sc=True),
)
def _topk_count_sc(x_hbm, out_hbm, xv, tva, tvb, cv):
    wid = lax.axis_index("s") * NCORES + lax.axis_index("c")
    b = wid // TILES_PER_B
    r0 = (wid % TILES_PER_B) * ROWS_PER_TILE
    pltpu.sync_copy(x_hbm.at[b, pl.ds(r0, ROWS_PER_TILE)], xv)

    lanes = lax.iota(jnp.int32, L)
    one = jnp.ones((L,), jnp.int32)
    zero = jnp.zeros((L,), jnp.int32)
    sc_lo = lanes * (L + 1)
    sc_hi = (lanes + L) * (L + 1)

    def one_group(g, tv, acc):
        for r in range(L):
            row = g * L + r
            a = xv[row, pl.ds(0, L)]
            bb = xv[row, pl.ds(L, L)]
            plsc.store_scatter(tv, [sc_lo + r], a)
            plsc.store_scatter(tv, [sc_hi + r], bb)
        v = [tv[pl.ds(e * (L + 1), L)] for e in range(E)]
        t = _fourth_largest(v)
        c = zero
        for e in range(E):
            g2 = tv[pl.ds(e * (L + 1), L)]
            c = c + jnp.where(g2 >= t, one, zero)
        return acc + c

    def body(i, acc):
        acc = one_group(2 * i, tva, acc)
        return one_group(2 * i + 1, tvb, acc)

    acc = lax.fori_loop(0, GROUPS // 2, body, jnp.zeros((L,), jnp.int32))
    cv[...] = acc
    pltpu.sync_copy(cv, out_hbm.at[wid])


def _tc_count_body(x_ref, o_ref):
    i = pl.program_id(0)
    j = pl.program_id(1)

    @pl.when(jnp.logical_and(i == 0, j == 0))
    def _():
        o_ref[0, 0] = 0

    v = x_ref[0]
    t = v
    for _ in range(3):
        m = jnp.max(t, axis=1, keepdims=True)
        t = jnp.where(t >= m, -jnp.inf, t)
    thr = jnp.max(t, axis=1, keepdims=True)
    o_ref[0, 0] += jnp.sum((v >= thr).astype(jnp.int32))


_tc_count = pl.pallas_call(
    _tc_count_body,
    grid=(B - B_SC, SEQ // RB),
    in_specs=[pl.BlockSpec((1, RB, E), lambda i, j: (i + B_SC, j, 0))],
    out_shape=jax.ShapeDtypeStruct((1, 1), jnp.int32),
    out_specs=pl.BlockSpec(memory_space=pltpu.SMEM),
)


def _sum_body(p_ref, t_ref, o_ref):
    o_ref[0, 0] = jnp.sum(p_ref[...]) + t_ref[0, 0]


_final_sum = pl.pallas_call(
    _sum_body,
    out_shape=jax.ShapeDtypeStruct((1, 1), jnp.int32),
    in_specs=[
        pl.BlockSpec((NTILES, L), lambda: (0, 0)),
        pl.BlockSpec(memory_space=pltpu.SMEM),
    ],
    out_specs=pl.BlockSpec(memory_space=pltpu.SMEM),
)


def kernel(x):
    parts = _topk_count_sc(x)
    tc_part = _tc_count(x)
    return _final_sum(parts, tc_part)[0, 0]

# --- scband reference (transcript-rebuilt; emitter-appended) ---
"""Pipeline reference for scband-fmod-11879879542394 (READ-ONLY COPY).

The authoritative reference and input builder live on the scoring server;
editing this copy changes nothing except your own understanding.
"""

import jax, jax.numpy as jnp
import numpy as np


def setup_inputs(seed: int = 0) -> dict:
    key = jax.random.key(seed)
    x = jax.random.normal(key, (4, 8192, 32), dtype=jnp.float32)
    return {"x": x}


def reference(x):
    # torch.topk(x, 4, dim=-1) -> values, indices
    routing_weights, selected_experts = jax.lax.top_k(x, 4)
    # F.one_hot(selected_experts, 32)
    one_hot_encoded = jax.nn.one_hot(selected_experts, 32, dtype=jnp.int32)
    return jnp.sum(one_hot_encoded)

if __name__ == "__main__":
    import jax
    _d = setup_inputs()
    print(jax.jit(kernel)(*tuple(_d.values())))

</pallas_src>

<mosaic_0001>
#map = affine_map<(d0, d1) -> (0, 0, 0)>
#map1 = affine_map<(d0, d1) -> (0, 0)>
module attributes {stable_mosaic.version = 14 : i64} {
  func.func @_topk_count_sc(%arg0: i32, %arg1: i32, %arg2: memref<4x8192x32xf32, #tpu.memory_space<hbm>>, %arg3: memref<32x16xi32, #tpu.memory_space<hbm>>, %arg4: memref<512x32xf32, #tpu.memory_space<vmem>>, %arg5: memref<544xf32, #tpu.memory_space<vmem>>, %arg6: memref<544xf32, #tpu.memory_space<vmem>>, %arg7: memref<16xi32, #tpu.memory_space<vmem>>) attributes {dimension_semantics = [#tpu.dimension_semantics<core_parallel>, #tpu.dimension_semantics<subcore_parallel>], iteration_bounds = array<i64: 2, 16>, scalar_prefetch = 0 : i64, scratch_operands = 4 : i64, tpu.core_type = #tpu.core_type<sc_vector_subcore>, window_params = [{transform_indices = #map}, {transform_indices = #map1}]} {
    %mul3A = arith.constant 2 : i32
    %mul3A_0 = arith.muli %arg1, %mul3A : i32
    %add3A = arith.addi %mul3A_0, %arg0 : i32
    %jit3A = arith.constant 16 : i32
    %div3A = arith.divsi %add3A, %jit3A : i32
    %sign3A = arith.constant 0 : i32
    %sign3A_1 = arith.cmpi sgt, %add3A, %sign3A : i32
    %sign3A_2 = arith.extui %sign3A_1 : i1 to i32
    %sign3A_3 = arith.constant 0 : i32
    %sign3A_4 = arith.cmpi slt, %add3A, %sign3A_3 : i32
    %sign3A_5 = arith.extui %sign3A_4 : i1 to i32
    %sign3A_6 = arith.subi %sign3A_2, %sign3A_5 : i32
    %sign3A_7 = arith.constant 0 : i32
    %sign3A_8 = arith.cmpi sgt, %jit3A, %sign3A_7 : i32
    %sign3A_9 = arith.extui %sign3A_8 : i1 to i32
    %sign3A_10 = arith.constant 0 : i32
    %sign3A_11 = arith.cmpi slt, %jit3A, %sign3A_10 : i32
    %sign3A_12 = arith.extui %sign3A_11 : i1 to i32
    %sign3A_13 = arith.subi %sign3A_9, %sign3A_12 : i32
    %ne3A = arith.cmpi ne, %sign3A_6, %sign3A_13 : i32
    %rem3A = arith.remsi %add3A, %jit3A : i32
    %ne3A_14 = arith.constant 0 : i32
    %ne3A_15 = arith.cmpi ne, %rem3A, %ne3A_14 : i32
    %and3A = arith.andi %ne3A, %ne3A_15 : i1
    %sub3A = arith.constant 1 : i32
    %sub3A_16 = arith.subi %div3A, %sub3A : i32
    %select_n3A = arith.select %and3A, %sub3A_16, %div3A : i32
    %jit3A_17 = arith.constant 16 : i32
    %eq3A = arith.constant 0 : i32
    %eq3A_18 = arith.cmpi eq, %jit3A_17, %eq3A : i32
    %jit3A_19 = arith.constant 1 : i32
    %select_n3A_20 = arith.select %eq3A_18, %jit3A_19, %jit3A_17 : i32
    %rem3A_21 = arith.remsi %add3A, %select_n3A_20 : i32
    %ne3A_22 = arith.constant 0 : i32
    %ne3A_23 = arith.cmpi ne, %rem3A_21, %ne3A_22 : i32
    %lt3A = arith.constant 0 : i32
    %lt3A_24 = arith.cmpi slt, %rem3A_21, %lt3A : i32
    %lt3A_25 = arith.constant 0 : i32
    %lt3A_26 = arith.cmpi slt, %select_n3A_20, %lt3A_25 : i32
    %ne3A_27 = arith.xori %lt3A_24, %lt3A_26 : i1
    %and3A_28 = arith.andi %ne3A_27, %ne3A_23 : i1
    %add3A_29 = arith.addi %rem3A_21, %select_n3A_20 : i32
    %select_n3A_30 = arith.select %and3A_28, %add3A_29, %rem3A_21 : i32
    %mul3A_31 = arith.constant 512 : i32
    %mul3A_32 = arith.muli %select_n3A_30, %mul3A_31 : i32
    "tpu.region"() ({
      %run_scoped3A = tpu.sem_alloc : memref<!tpu.dma_semaphore, #tpu.memory_space<semaphore_mem>>
      %dma_start3A = arith.constant 0 : i32
      %dma_start3A_53 = tpu.memref_slice %arg2[%select_n3A, %mul3A_32, %dma_start3A] : memref<4x8192x32xf32, #tpu.memory_space<hbm>> -> memref<1x512x32xf32, #tpu.memory_space<hbm>>
      %dma_start3A_54 = tpu.memref_squeeze %dma_start3A_53 : memref<1x512x32xf32, #tpu.memory_space<hbm>> -> memref<512x32xf32, #tpu.memory_space<hbm>>
      %dma_start3A_55 = arith.constant 0 : i32
      %dma_start3A_56 = tpu.memref_slice %arg2[%select_n3A, %mul3A_32, %dma_start3A_55] : memref<4x8192x32xf32, #tpu.memory_space<hbm>> -> memref<1x512x32xf32, #tpu.memory_space<hbm>>
      %dma_start3A_57 = tpu.memref_squeeze %dma_start3A_56 : memref<1x512x32xf32, #tpu.memory_space<hbm>> -> memref<512x32xf32, #tpu.memory_space<hbm>>
      tpu.enqueue_dma source(%dma_start3A_57 : memref<512x32xf32, #tpu.memory_space<hbm>>) target(%arg4 : memref<512x32xf32, #tpu.memory_space<vmem>>) target_semaphore(%run_scoped3A : memref<!tpu.dma_semaphore, #tpu.memory_space<semaphore_mem>>)
      %dma_wait3A = arith.constant 0 : i32
      %dma_wait3A_58 = tpu.memref_slice %arg2[%select_n3A, %mul3A_32, %dma_wait3A] : memref<4x8192x32xf32, #tpu.memory_space<hbm>> -> memref<1x512x32xf32, #tpu.memory_space<hbm>>
      %dma_wait3A_59 = tpu.memref_squeeze %dma_wait3A_58 : memref<1x512x32xf32, #tpu.memory_space<hbm>> -> memref<512x32xf32, #tpu.memory_space<hbm>>
      %dma_wait3A_60 = arith.constant 0 : i32
      %dma_wait3A_61 = tpu.memref_slice %arg2[%select_n3A, %mul3A_32, %dma_wait3A_60] : memref<4x8192x32xf32, #tpu.memory_space<hbm>> -> memref<1x512x32xf32, #tpu.memory_space<hbm>>
      %dma_wait3A_62 = tpu.memref_squeeze %dma_wait3A_61 : memref<1x512x32xf32, #tpu.memory_space<hbm>> -> memref<512x32xf32, #tpu.memory_space<hbm>>
      tpu.wait_dma2 semaphore(%run_scoped3A : memref<!tpu.dma_semaphore, #tpu.memory_space<semaphore_mem>>) src(%dma_wait3A_62 : memref<512x32xf32, #tpu.memory_space<hbm>>) dst(%arg4 : memref<512x32xf32, #tpu.memory_space<vmem>>)
      tpu.yield
    }) : () -> ()
    %iota3A = tpu.iota {dimensions = array<i32: 0>} : vector<16xi32>
    %broadcast_in_dim3A = arith.constant 1 : i32
    %broadcast_in_dim3A_33 = vector.broadcast %broadcast_in_dim3A : i32 to vector<16xi32>
    %broadcast_in_dim3A_34 = arith.constant 0 : i32
    %broadcast_in_dim3A_35 = vector.broadcast %broadcast_in_dim3A_34 : i32 to vector<16xi32>
    %mul3A_36 = arith.constant 17 : i32
    %mul3A_37 = vector.broadcast %mul3A_36 : i32 to vector<16xi32>
    %mul3A_38 = arith.muli %iota3A, %mul3A_37 : vector<16xi32>
    %add3A_39 = arith.constant 16 : i32
    %add3A_40 = vector.broadcast %add3A_39 : i32 to vector<16xi32>
    %add3A_41 = arith.addi %iota3A, %add3A_40 : vector<16xi32>
    %mul3A_42 = arith.constant 17 : i32
    %mul3A_43 = vector.broadcast %mul3A_42 : i32 to vector<16xi32>
    %mul3A_44 = arith.muli %add3A_41, %mul3A_43 : vector<16xi32>
    %broadcast_in_dim3A_45 = arith.constant 0 : i32
    %broadcast_in_dim3A_46 = vector.broadcast %broadcast_in_dim3A_45 : i32 to vector<16xi32>
    %scan3A = arith.constant 0 : i32
    %scan3A_47 = arith.constant 16 : i32
    %scan3A_48 = arith.addi %scan3A, %scan3A_47 : i32
    %scan3A_49 = arith.constant 1 : i32
    %scan3A_50 = scf.for %scan3A_53 = %scan3A to %scan3A_48 step %scan3A_49 iter_args(%scan3A_54 = %broadcast_in_dim3A_46) -> (vector<16xi32>)  : i32 {
      %mul3A_55 = arith.constant 2 : i32
      %mul3A_56 = arith.muli %mul3A_55, %scan3A_53 : i32
      %mul3A_57 = arith.constant 16 : i32
      %mul3A_58 = arith.muli %mul3A_56, %mul3A_57 : i32
      %add3A_59 = arith.constant 0 : i32
      %add3A_60 = arith.addi %mul3A_58, %add3A_59 : i32
      %get3A = arith.index_cast %add3A_60 : i32 to index
      %get3A_61 = arith.constant 0 : index
      %get3A_62 = tpu.vector_load %arg4[%get3A, %get3A_61] {strides = array<i32>} : memref<512x32xf32, #tpu.memory_space<vmem>>, vector<16xf32>,
      %get3A_63 = arith.index_cast %add3A_60 : i32 to index
      %get3A_64 = arith.constant 16 : index
      %get3A_65 = tpu.vector_load %arg4[%get3A_63, %get3A_64] {strides = array<i32>} : memref<512x32xf32, #tpu.memory_space<vmem>>, vector<16xf32>,
      %add3A_66 = arith.constant 0 : i32
      %add3A_67 = vector.broadcast %add3A_66 : i32 to vector<16xi32>
      %add3A_68 = arith.addi %mul3A_38, %add3A_67 : vector<16xi32>
      tpu.vector_store_idx %arg5[%add3A_68], %get3A_62 : memref<544xf32, #tpu.memory_space<vmem>>[vector<16xi32>], vector<16xf32>,
      %add3A_69 = arith.constant 0 : i32
      %add3A_70 = vector.broadcast %add3A_69 : i32 to vector<16xi32>
      %add3A_71 = arith.addi %mul3A_44, %add3A_70 : vector<16xi32>
      tpu.vector_store_idx %arg5[%add3A_71], %get3A_65 : memref<544xf32, #tpu.memory_space<vmem>>[vector<16xi32>], vector<16xf32>,
      %mul3A_72 = arith.constant 16 : i32
      %mul3A_73 = arith.muli %mul3A_56, %mul3A_72 : i32
      %add3A_74 = arith.constant 1 : i32
      %add3A_75 = arith.addi %mul3A_73, %add3A_74 : i32
      %get3A_76 = arith.index_cast %add3A_75 : i32 to index
      %get3A_77 = arith.constant 0 : index
      %get3A_78 = tpu.vector_load %arg4[%get3A_76, %get3A_77] {strides = array<i32>} : memref<512x32xf32, #tpu.memory_space<vmem>>, vector<16xf32>,
      %get3A_79 = arith.index_cast %add3A_75 : i32 to index
      %get3A_80 = arith.constant 16 : index
      %get3A_81 = tpu.vector_load %arg4[%get3A_79, %get3A_80] {strides = array<i32>} : memref<512x32xf32, #tpu.memory_space<vmem>>, vector<16xf32>,
      %add3A_82 = arith.constant 1 : i32
      %add3A_83 = vector.broadcast %add3A_82 : i32 to vector<16xi32>
      %add3A_84 = arith.addi %mul3A_38, %add3A_83 : vector<16xi32>
      tpu.vector_store_idx %arg5[%add3A_84], %get3A_78 : memref<544xf32, #tpu.memory_space<vmem>>[vector<16xi32>], vector<16xf32>,
      %add3A_85 = arith.constant 1 : i32
      %add3A_86 = vector.broadcast %add3A_85 : i32 to vector<16xi32>
      %add3A_87 = arith.addi %mul3A_44, %add3A_86 : vector<16xi32>
      tpu.vector_store_idx %arg5[%add3A_87], %get3A_81 : memref<544xf32, #tpu.memory_space<vmem>>[vector<16xi32>], vector<16xf32>,
      %mul3A_88 = arith.constant 16 : i32
      %mul3A_89 = arith.muli %mul3A_56, %mul3A_88 : i32
      %add3A_90 = arith.constant 2 : i32
      %add3A_91 = arith.addi %mul3A_89, %add3A_90 : i32
      %get3A_92 = arith.index_cast %add3A_91 : i32 to index
      %get3A_93 = arith.constant 0 : index
      %get3A_94 = tpu.vector_load %arg4[%get3A_92, %get3A_93] {strides = array<i32>} : memref<512x32xf32, #tpu.memory_space<vmem>>, vector<16xf32>,
      %get3A_95 = arith.index_cast %add3A_91 : i32 to index
      %get3A_96 = arith.constant 16 : index
      %get3A_97 = tpu.vector_load %arg4[%get3A_95, %get3A_96] {strides = array<i32>} : memref<512x32xf32, #tpu.memory_space<vmem>>, vector<16xf32>,
      %add3A_98 = arith.constant 2 : i32
      %add3A_99 = vector.broadcast %add3A_98 : i32 to vector<16xi32>
      %add3A_100 = arith.addi %mul3A_38, %add3A_99 : vector<16xi32>
      tpu.vector_store_idx %arg5[%add3A_100], %get3A_94 : memref<544xf32, #tpu.memory_space<vmem>>[vector<16xi32>], vector<16xf32>,
      %add3A_101 = arith.constant 2 : i32
      %add3A_102 = vector.broadcast %add3A_101 : i32 to vector<16xi32>
      %add3A_103 = arith.addi %mul3A_44, %add3A_102 : vector<16xi32>
      tpu.vector_store_idx %arg5[%add3A_103], %get3A_97 : memref<544xf32, #tpu.memory_space<vmem>>[vector<16xi32>], vector<16xf32>,
      %mul3A_104 = arith.constant 16 : i32
      %mul3A_105 = arith.muli %mul3A_56, %mul3A_104 : i32
      %add3A_106 = arith.constant 3 : i32
      %add3A_107 = arith.addi %mul3A_105, %add3A_106 : i32
      %get3A_108 = arith.index_cast %add3A_107 : i32 to index
      %get3A_109 = arith.constant 0 : index
      %get3A_110 = tpu.vector_load %arg4[%get3A_108, %get3A_109] {strides = array<i32>} : memref<512x32xf32, #tpu.memory_space<vmem>>, vector<16xf32>,
      %get3A_111 = arith.index_cast %add3A_107 : i32 to index
      %get3A_112 = arith.constant 16 : index
      %get3A_113 = tpu.vector_load %arg4[%get3A_111, %get3A_112] {strides = array<i32>} : memref<512x32xf32, #tpu.memory_space<vmem>>, vector<16xf32>,
      %add3A_114 = arith.constant 3 : i32
      %add3A_115 = vector.broadcast %add3A_114 : i32 to vector<16xi32>
      %add3A_116 = arith.addi %mul3A_38, %add3A_115 : vector<16xi32>
      tpu.vector_store_idx %arg5[%add3A_116], %get3A_110 : memref<544xf32, #tpu.memory_space<vmem>>[vector<16xi32>], vector<16xf32>,
      %add3A_117 = arith.constant 3 : i32
      %add3A_118 = vector.broadcast %add3A_117 : i32 to vector<16xi32>
      %add3A_119 = arith.addi %mul3A_44, %add3A_118 : vector<16xi32>
      tpu.vector_store_idx %arg5[%add3A_119], %get3A_113 : memref<544xf32, #tpu.memory_space<vmem>>[vector<16xi32>], vector<16xf32>,
      %mul3A_120 = arith.constant 16 : i32
      %mul3A_121 = arith.muli %mul3A_56, %mul3A_120 : i32
      %add3A_122 = arith.constant 4 : i32
      %add3A_123 = arith.addi %mul3A_121, %add3A_122 : i32
      %get3A_124 = arith.index_cast %add3A_123 : i32 to index
      %get3A_125 = arith.constant 0 : index
      %get3A_126 = tpu.vector_load %arg4[%get3A_124, %get3A_125] {strides = array<i32>} : memref<512x32xf32, #tpu.memory_space<vmem>>, vector<16xf32>,
      %get3A_127 = arith.index_cast %add3A_123 : i32 to index
      %get3A_128 = arith.constant 16 : index
      %get3A_129 = tpu.vector_load %arg4[%get3A_127, %get3A_128] {strides = array<i32>} : memref<512x32xf32, #tpu.memory_space<vmem>>, vector<16xf32>,
      %add3A_130 = arith.constant 4 : i32
      %add3A_131 = vector.broadcast %add3A_130 : i32 to vector<16xi32>
      %add3A_132 = arith.addi %mul3A_38, %add3A_131 : vector<16xi32>
      tpu.vector_store_idx %arg5[%add3A_132], %get3A_126 : memref<544xf32, #tpu.memory_space<vmem>>[vector<16xi32>], vector<16xf32>,
      %add3A_133 = arith.constant 4 : i32
      %add3A_134 = vector.broadcast %add3A_133 : i32 to vector<16xi32>
      %add3A_135 = arith.addi %mul3A_44, %add3A_134 : vector<16xi32>
      tpu.vector_store_idx %arg5[%add3A_135], %get3A_129 : memref<544xf32, #tpu.memory_space<vmem>>[vector<16xi32>], vector<16xf32>,
      %mul3A_136 = arith.constant 16 : i32
      %mul3A_137 = arith.muli %mul3A_56, %mul3A_136 : i32
      %add3A_138 = arith.constant 5 : i32
      %add3A_139 = arith.addi %mul3A_137, %add3A_138 : i32
      %get3A_140 = arith.index_cast %add3A_139 : i32 to index
      %get3A_141 = arith.constant 0 : index
      %get3A_142 = tpu.vector_load %arg4[%get3A_140, %get3A_141] {strides = array<i32>} : memref<512x32xf32, #tpu.memory_space<vmem>>, vector<16xf32>,
      %get3A_143 = arith.index_cast %add3A_139 : i32 to index
      %get3A_144 = arith.constant 16 : index
      %get3A_145 = tpu.vector_load %arg4[%get3A_143, %get3A_144] {strides = array<i32>} : memref<512x32xf32, #tpu.memory_space<vmem>>, vector<16xf32>,
      %add3A_146 = arith.constant 5 : i32
      %add3A_147 = vector.broadcast %add3A_146 : i32 to vector<16xi32>
      %add3A_148 = arith.addi %mul3A_38, %add3A_147 : vector<16xi32>
      tpu.vector_store_idx %arg5[%add3A_148], %get3A_142 : memref<544xf32, #tpu.memory_space<vmem>>[vector<16xi32>], vector<16xf32>,
      %add3A_149 = arith.constant 5 : i32
      %add3A_150 = vector.broadcast %add3A_149 : i32 to vector<16xi32>
      %add3A_151 = arith.addi %mul3A_44, %add3A_150 : vector<16xi32>
      tpu.vector_store_idx %arg5[%add3A_151], %get3A_145 : memref<544xf32, #tpu.memory_space<vmem>>[vector<16xi32>], vector<16xf32>,
      %mul3A_152 = arith.constant 16 : i32
      %mul3A_153 = arith.muli %mul3A_56, %mul3A_152 : i32
      %add3A_154 = arith.constant 6 : i32
      %add3A_155 = arith.addi %mul3A_153, %add3A_154 : i32
      %get3A_156 = arith.index_cast %add3A_155 : i32 to index
      %get3A_157 = arith.constant 0 : index
      %get3A_158 = tpu.vector_load %arg4[%get3A_156, %get3A_157] {strides = array<i32>} : memref<512x32xf32, #tpu.memory_space<vmem>>, vector<16xf32>,
      %get3A_159 = arith.index_cast %add3A_155 : i32 to index
      %get3A_160 = arith.constant 16 : index
      %get3A_161 = tpu.vector_load %arg4[%get3A_159, %get3A_160] {strides = array<i32>} : memref<512x32xf32, #tpu.memory_space<vmem>>, vector<16xf32>,
      %add3A_162 = arith.constant 6 : i32
      %add3A_163 = vector.broadcast %add3A_162 : i32 to vector<16xi32>
      %add3A_164 = arith.addi %mul3A_38, %add3A_163 : vector<16xi32>
      tpu.vector_store_idx %arg5[%add3A_164], %get3A_158 : memref<544xf32, #tpu.memory_space<vmem>>[vector<16xi32>], vector<16xf32>,
      %add3A_165 = arith.constant 6 : i32
      %add3A_166 = vector.broadcast %add3A_165 : i32 to vector<16xi32>
      %add3A_167 = arith.addi %mul3A_44, %add3A_166 : vector<16xi32>
      tpu.vector_store_idx %arg5[%add3A_167], %get3A_161 : memref<544xf32, #tpu.memory_space<vmem>>[vector<16xi32>], vector<16xf32>,
      %mul3A_168 = arith.constant 16 : i32
      %mul3A_169 = arith.muli %mul3A_56, %mul3A_168 : i32
      %add3A_170 = arith.constant 7 : i32
      %add3A_171 = arith.addi %mul3A_169, %add3A_170 : i32
      %get3A_172 = arith.index_cast %add3A_171 : i32 to index
      %get3A_173 = arith.constant 0 : index
      %get3A_174 = tpu.vector_load %arg4[%get3A_172, %get3A_173] {strides = array<i32>} : memref<512x32xf32, #tpu.memory_space<vmem>>, vector<16xf32>,
      %get3A_175 = arith.index_cast %add3A_171 : i32 to index
      %get3A_176 = arith.constant 16 : index
      %get3A_177 = tpu.vector_load %arg4[%get3A_175, %get3A_176] {strides = array<i32>} : memref<512x32xf32, #tpu.memory_space<vmem>>, vector<16xf32>,
      %add3A_178 = arith.constant 7 : i32
      %add3A_179 = vector.broadcast %add3A_178 : i32 to vector<16xi32>
      %add3A_180 = arith.addi %mul3A_38, %add3A_179 : vector<16xi32>
      tpu.vector_store_idx %arg5[%add3A_180], %get3A_174 : memref<544xf32, #tpu.memory_space<vmem>>[vector<16xi32>], vector<16xf32>,
      %add3A_181 = arith.constant 7 : i32
      %add3A_182 = vector.broadcast %add3A_181 : i32 to vector<16xi32>
      %add3A_183 = arith.addi %mul3A_44, %add3A_182 : vector<16xi32>
      tpu.vector_store_idx %arg5[%add3A_183], %get3A_177 : memref<544xf32, #tpu.memory_space<vmem>>[vector<16xi32>], vector<16xf32>,
      %mul3A_184 = arith.constant 16 : i32
      %mul3A_185 = arith.muli %mul3A_56, %mul3A_184 : i32
      %add3A_186 = arith.constant 8 : i32
      %add3A_187 = arith.addi %mul3A_185, %add3A_186 : i32
      %get3A_188 = arith.index_cast %add3A_187 : i32 to index
      %get3A_189 = arith.constant 0 : index
      %get3A_190 = tpu.vector_load %arg4[%get3A_188, %get3A_189] {strides = array<i32>} : memref<512x32xf32, #tpu.memory_space<vmem>>, vector<16xf32>,
      %get3A_191 = arith.index_cast %add3A_187 : i32 to index
      %get3A_192 = arith.constant 16 : index
      %get3A_193 = tpu.vector_load %arg4[%get3A_191, %get3A_192] {strides = array<i32>} : memref<512x32xf32, #tpu.memory_space<vmem>>, vector<16xf32>,
      %add3A_194 = arith.constant 8 : i32
      %add3A_195 = vector.broadcast %add3A_194 : i32 to vector<16xi32>
      %add3A_196 = arith.addi %mul3A_38, %add3A_195 : vector<16xi32>
      tpu.vector_store_idx %arg5[%add3A_196], %get3A_190 : memref<544xf32, #tpu.memory_space<vmem>>[vector<16xi32>], vector<16xf32>,
      %add3A_197 = arith.constant 8 : i32
      %add3A_198 = vector.broadcast %add3A_197 : i32 to vector<16xi32>
      %add3A_199 = arith.addi %mul3A_44, %add3A_198 : vector<16xi32>
      tpu.vector_store_idx %arg5[%add3A_199], %get3A_193 : memref<544xf32, #tpu.memory_space<vmem>>[vector<16xi32>], vector<16xf32>,
      %mul3A_200 = arith.constant 16 : i32
      %mul3A_201 = arith.muli %mul3A_56, %mul3A_200 : i32
      %add3A_202 = arith.constant 9 : i32
      %add3A_203 = arith.addi %mul3A_201, %add3A_202 : i32
      %get3A_204 = arith.index_cast %add3A_203 : i32 to index
      %get3A_205 = arith.constant 0 : index
      %get3A_206 = tpu.vector_load %arg4[%get3A_204, %get3A_205] {strides = array<i32>} : memref<512x32xf32, #tpu.memory_space<vmem>>, vector<16xf32>,
      %get3A_207 = arith.index_cast %add3A_203 : i32 to index
      %get3A_208 = arith.constant 16 : index
      %get3A_209 = tpu.vector_load %arg4[%get3A_207, %get3A_208] {strides = array<i32>} : memref<512x32xf32, #tpu.memory_space<vmem>>, vector<16xf32>,
      %add3A_210 = arith.constant 9 : i32
      %add3A_211 = vector.broadcast %add3A_210 : i32 to vector<16xi32>
      %add3A_212 = arith.addi %mul3A_38, %add3A_211 : vector<16xi32>
      tpu.vector_store_idx %arg5[%add3A_212], %get3A_206 : memref<544xf32, #tpu.memory_space<vmem>>[vector<16xi32>], vector<16xf32>,
      %add3A_213 = arith.constant 9 : i32
      %add3A_214 = vector.broadcast %add3A_213 : i32 to vector<16xi32>
      %add3A_215 = arith.addi %mul3A_44, %add3A_214 : vector<16xi32>
      tpu.vector_store_idx %arg5[%add3A_215], %get3A_209 : memref<544xf32, #tpu.memory_space<vmem>>[vector<16xi32>], vector<16xf32>,
      %mul3A_216 = arith.constant 16 : i32
      %mul3A_217 = arith.muli %mul3A_56, %mul3A_216 : i32
      %add3A_218 = arith.constant 10 : i32
      %add3A_219 = arith.addi %mul3A_217, %add3A_218 : i32
      %get3A_220 = arith.index_cast %add3A_219 : i32 to index
      %get3A_221 = arith.constant 0 : index
      %get3A_222 = tpu.vector_load %arg4[%get3A_220, %get3A_221] {strides = array<i32>} : memref<512x32xf32, #tpu.memory_space<vmem>>, vector<16xf32>,
      %get3A_223 = arith.index_cast %add3A_219 : i32 to index
      %get3A_224 = arith.constant 16 : index
      %get3A_225 = tpu.vector_load %arg4[%get3A_223, %get3A_224] {strides = array<i32>} : memref<512x32xf32, #tpu.memory_space<vmem>>, vector<16xf32>,
      %add3A_226 = arith.constant 10 : i32
      %add3A_227 = vector.broadcast %add3A_226 : i32 to vector<16xi32>
      %add3A_228 = arith.addi %mul3A_38, %add3A_227 : vector<16xi32>
      tpu.vector_store_idx %arg5[%add3A_228], %get3A_222 : memref<544xf32, #tpu.memory_space<vmem>>[vector<16xi32>], vector<16xf32>,
      %add3A_229 = arith.constant 10 : i32
      %add3A_230 = vector.broadcast %add3A_229 : i32 to vector<16xi32>
      %add3A_231 = arith.addi %mul3A_44, %add3A_230 : vector<16xi32>
      tpu.vector_store_idx %arg5[%add3A_231], %get3A_225 : memref<544xf32, #tpu.memory_space<vmem>>[vector<16xi32>], vector<16xf32>,
      %mul3A_232 = arith.constant 16 : i32
      %mul3A_233 = arith.muli %mul3A_56, %mul3A_232 : i32
      %add3A_234 = arith.constant 11 : i32
      %add3A_235 = arith.addi %mul3A_233, %add3A_234 : i32
      %get3A_236 = arith.index_cast %add3A_235 : i32 to index
      %get3A_237 = arith.constant 0 : index
      %get3A_238 = tpu.vector_load %arg4[%get3A_236, %get3A_237] {strides = array<i32>} : memref<512x32xf32, #tpu.memory_space<vmem>>, vector<16xf32>,
      %get3A_239 = arith.index_cast %add3A_235 : i32 to index
      %get3A_240 = arith.constant 16 : index
      %get3A_241 = tpu.vector_load %arg4[%get3A_239, %get3A_240] {strides = array<i32>} : memref<512x32xf32, #tpu.memory_space<vmem>>, vector<16xf32>,
      %add3A_242 = arith.constant 11 : i32
      %add3A_243 = vector.broadcast %add3A_242 : i32 to vector<16xi32>
      %add3A_244 = arith.addi %mul3A_38, %add3A_243 : vector<16xi32>
      tpu.vector_store_idx %arg5[%add3A_244], %get3A_238 : memref<544xf32, #tpu.memory_space<vmem>>[vector<16xi32>], vector<16xf32>,
      %add3A_245 = arith.constant 11 : i32
      %add3A_246 = vector.broadcast %add3A_245 : i32 to vector<16xi32>
      %add3A_247 = arith.addi %mul3A_44, %add3A_246 : vector<16xi32>
      tpu.vector_store_idx %arg5[%add3A_247], %get3A_241 : memref<544xf32, #tpu.memory_space<vmem>>[vector<16xi32>], vector<16xf32>,
      %mul3A_248 = arith.constant 16 : i32
      %mul3A_249 = arith.muli %mul3A_56, %mul3A_248 : i32
      %add3A_250 = arith.constant 12 : i32
      %add3A_251 = arith.addi %mul3A_249, %add3A_250 : i32
      %get3A_252 = arith.index_cast %add3A_251 : i32 to index
      %get3A_253 = arith.constant 0 : index
      %get3A_254 = tpu.vector_load %arg4[%get3A_252, %get3A_253] {strides = array<i32>} : memref<512x32xf32, #tpu.memory_space<vmem>>, vector<16xf32>,
      %get3A_255 = arith.index_cast %add3A_251 : i32 to index
      %get3A_256 = arith.constant 16 : index
      %get3A_257 = tpu.vector_load %arg4[%get3A_255, %get3A_256] {strides = array<i32>} : memref<512x32xf32, #tpu.memory_space<vmem>>, vector<16xf32>,
      %add3A_258 = arith.constant 12 : i32
      %add3A_259 = vector.broadcast %add3A_258 : i32 to vector<16xi32>
      %add3A_260 = arith.addi %mul3A_38, %add3A_259 : vector<16xi32>
      tpu.vector_store_idx %arg5[%add3A_260], %get3A_254 : memref<544xf32, #tpu.memory_space<vmem>>[vector<16xi32>], vector<16xf32>,
      %add3A_261 = arith.constant 12 : i32
      %add3A_262 = vector.broadcast %add3A_261 : i32 to vector<16xi32>
      %add3A_263 = arith.addi %mul3A_44, %add3A_262 : vector<16xi32>
      tpu.vector_store_idx %arg5[%add3A_263], %get3A_257 : memref<544xf32, #tpu.memory_space<vmem>>[vector<16xi32>], vector<16xf32>,
      %mul3A_264 = arith.constant 16 : i32
      %mul3A_265 = arith.muli %mul3A_56, %mul3A_264 : i32
      %add3A_266 = arith.constant 13 : i32
      %add3A_267 = arith.addi %mul3A_265, %add3A_266 : i32
      %get3A_268 = arith.index_cast %add3A_267 : i32 to index
      %get3A_269 = arith.constant 0 : index
      %get3A_270 = tpu.vector_load %arg4[%get3A_268, %get3A_269] {strides = array<i32>} : memref<512x32xf32, #tpu.memory_space<vmem>>, vector<16xf32>,
      %get3A_271 = arith.index_cast %add3A_267 : i32 to index
      %get3A_272 = arith.constant 16 : index
      %get3A_273 = tpu.vector_load %arg4[%get3A_271, %get3A_272] {strides = array<i32>} : memref<512x32xf32, #tpu.memory_space<vmem>>, vector<16xf32>,
      %add3A_274 = arith.constant 13 : i32
      %add3A_275 = vector.broadcast %add3A_274 : i32 to vector<16xi32>
      %add3A_276 = arith.addi %mul3A_38, %add3A_275 : vector<16xi32>
      tpu.vector_store_idx %arg5[%add3A_276], %get3A_270 : memref<544xf32, #tpu.memory_space<vmem>>[vector<16xi32>], vector<16xf32>,
      %add3A_277 = arith.constant 13 : i32
      %add3A_278 = vector.broadcast %add3A_277 : i32 to vector<16xi32>
      %add3A_279 = arith.addi %mul3A_44, %add3A_278 : vector<16xi32>
      tpu.vector_store_idx %arg5[%add3A_279], %get3A_273 : memref<544xf32, #tpu.memory_space<vmem>>[vector<16xi32>], vector<16xf32>,
      %mul3A_280 = arith.constant 16 : i32
      %mul3A_281 = arith.muli %mul3A_56, %mul3A_280 : i32
      %add3A_282 = arith.constant 14 : i32
      %add3A_283 = arith.addi %mul3A_281, %add3A_282 : i32
      %get3A_284 = arith.index_cast %add3A_283 : i32 to index
      %get3A_285 = arith.constant 0 : index
      %get3A_286 = tpu.vector_load %arg4[%get3A_284, %get3A_285] {strides = array<i32>} : memref<512x32xf32, #tpu.memory_space<vmem>>, vector<16xf32>,
      %get3A_287 = arith.index_cast %add3A_283 : i32 to index
      %get3A_288 = arith.constant 16 : index
      %get3A_289 = tpu.vector_load %arg4[%get3A_287, %get3A_288] {strides = array<i32>} : memref<512x32xf32, #tpu.memory_space<vmem>>, vector<16xf32>,
      %add3A_290 = arith.constant 14 : i32
      %add3A_291 = vector.broadcast %add3A_290 : i32 to vector<16xi32>
      %add3A_292 = arith.addi %mul3A_38, %add3A_291 : vector<16xi32>
      tpu.vector_store_idx %arg5[%add3A_292], %get3A_286 : memref<544xf32, #tpu.memory_space<vmem>>[vector<16xi32>], vector<16xf32>,
      %add3A_293 = arith.constant 14 : i32
      %add3A_294 = vector.broadcast %add3A_293 : i32 to vector<16xi32>
      %add3A_295 = arith.addi %mul3A_44, %add3A_294 : vector<16xi32>
      tpu.vector_store_idx %arg5[%add3A_295], %get3A_289 : memref<544xf32, #tpu.memory_space<vmem>>[vector<16xi32>], vector<16xf32>,
      %mul3A_296 = arith.constant 16 : i32
      %mul3A_297 = arith.muli %mul3A_56, %mul3A_296 : i32
      %add3A_298 = arith.constant 15 : i32
      %add3A_299 = arith.addi %mul3A_297, %add3A_298 : i32
      %get3A_300 = arith.index_cast %add3A_299 : i32 to index
      %get3A_301 = arith.constant 0 : index
      %get3A_302 = tpu.vector_load %arg4[%get3A_300, %get3A_301] {strides = array<i32>} : memref<512x32xf32, #tpu.memory_space<vmem>>, vector<16xf32>,
      %get3A_303 = arith.index_cast %add3A_299 : i32 to index
      %get3A_304 = arith.constant 16 : index
      %get3A_305 = tpu.vector_load %arg4[%get3A_303, %get3A_304] {strides = array<i32>} : memref<512x32xf32, #tpu.memory_space<vmem>>, vector<16xf32>,
      %add3A_306 = arith.constant 15 : i32
      %add3A_307 = vector.broadcast %add3A_306 : i32 to vector<16xi32>
      %add3A_308 = arith.addi %mul3A_38, %add3A_307 : vector<16xi32>
      tpu.vector_store_idx %arg5[%add3A_308], %get3A_302 : memref<544xf32, #tpu.memory_space<vmem>>[vector<16xi32>], vector<16xf32>,
      %add3A_309 = arith.constant 15 : i32
      %add3A_310 = vector.broadcast %add3A_309 : i32 to vector<16xi32>
      %add3A_311 = arith.addi %mul3A_44, %add3A_310 : vector<16xi32>
      tpu.vector_store_idx %arg5[%add3A_311], %get3A_305 : memref<544xf32, #tpu.memory_space<vmem>>[vector<16xi32>], vector<16xf32>,
      %get3A_312 = arith.constant 0 : index
      %get3A_313 = tpu.vector_load %arg5[%get3A_312] {strides = array<i32>} : memref<544xf32, #tpu.memory_space<vmem>>, vector<16xf32>,
      %get3A_314 = arith.constant 17 : index
      %get3A_315 = tpu.vector_load %arg5[%get3A_314] {strides = array<i32>} : memref<544xf32, #tpu.memory_space<vmem>>, vector<16xf32>,
      %get3A_316 = arith.constant 34 : index
      %get3A_317 = tpu.vector_load %arg5[%get3A_316] {strides = array<i32>} : memref<544xf32, #tpu.memory_space<vmem>>, vector<16xf32>,
      %get3A_318 = arith.constant 51 : index
      %get3A_319 = tpu.vector_load %arg5[%get3A_318] {strides = array<i32>} : memref<544xf32, #tpu.memory_space<vmem>>, vector<16xf32>,
      %get3A_320 = arith.constant 68 : index
      %get3A_321 = tpu.vector_load %arg5[%get3A_320] {strides = array<i32>} : memref<544xf32, #tpu.memory_space<vmem>>, vector<16xf32>,
      %get3A_322 = arith.constant 85 : index
      %get3A_323 = tpu.vector_load %arg5[%get3A_322] {strides = array<i32>} : memref<544xf32, #tpu.memory_space<vmem>>, vector<16xf32>,
      %get3A_324 = arith.constant 102 : index
      %get3A_325 = tpu.vector_load %arg5[%get3A_324] {strides = array<i32>} : memref<544xf32, #tpu.memory_space<vmem>>, vector<16xf32>,
      %get3A_326 = arith.constant 119 : index
      %get3A_327 = tpu.vector_load %arg5[%get3A_326] {strides = array<i32>} : memref<544xf32, #tpu.memory_space<vmem>>, vector<16xf32>,
      %get3A_328 = arith.constant 136 : index
      %get3A_329 = tpu.vector_load %arg5[%get3A_328] {strides = array<i32>} : memref<544xf32, #tpu.memory_space<vmem>>, vector<16xf32>,
      %get3A_330 = arith.constant 153 : index
      %get3A_331 = tpu.vector_load %arg5[%get3A_330] {strides = array<i32>} : memref<544xf32, #tpu.memory_space<vmem>>, vector<16xf32>,
      %get3A_332 = arith.constant 170 : index
      %get3A_333 = tpu.vector_load %arg5[%get3A_332] {strides = array<i32>} : memref<544xf32, #tpu.memory_space<vmem>>, vector<16xf32>,
      %get3A_334 = arith.constant 187 : index
      %get3A_335 = tpu.vector_load %arg5[%get3A_334] {strides = array<i32>} : memref<544xf32, #tpu.memory_space<vmem>>, vector<16xf32>,
      %get3A_336 = arith.constant 204 : index
      %get3A_337 = tpu.vector_load %arg5[%get3A_336] {strides = array<i32>} : memref<544xf32, #tpu.memory_space<vmem>>, vector<16xf32>,
      %get3A_338 = arith.constant 221 : index
      %get3A_339 = tpu.vector_load %arg5[%get3A_338] {strides = array<i32>} : memref<544xf32, #tpu.memory_space<vmem>>, vector<16xf32>,
      %get3A_340 = arith.constant 238 : index
      %get3A_341 = tpu.vector_load %arg5[%get3A_340] {strides = array<i32>} : memref<544xf32, #tpu.memory_space<vmem>>, vector<16xf32>,
      %get3A_342 = arith.constant 255 : index
      %get3A_343 = tpu.vector_load %arg5[%get3A_342] {strides = array<i32>} : memref<544xf32, #tpu.memory_space<vmem>>, vector<16xf32>,
      %get3A_344 = arith.constant 272 : index
      %get3A_345 = tpu.vector_load %arg5[%get3A_344] {strides = array<i32>} : memref<544xf32, #tpu.memory_space<vmem>>, vector<16xf32>,
      %get3A_346 = arith.constant 289 : index
      %get3A_347 = tpu.vector_load %arg5[%get3A_346] {strides = array<i32>} : memref<544xf32, #tpu.memory_space<vmem>>, vector<16xf32>,
      %get3A_348 = arith.constant 306 : index
      %get3A_349 = tpu.vector_load %arg5[%get3A_348] {strides = array<i32>} : memref<544xf32, #tpu.memory_space<vmem>>, vector<16xf32>,
      %get3A_350 = arith.constant 323 : index
      %get3A_351 = tpu.vector_load %arg5[%get3A_350] {strides = array<i32>} : memref<544xf32, #tpu.memory_space<vmem>>, vector<16xf32>,
      %get3A_352 = arith.constant 340 : index
      %get3A_353 = tpu.vector_load %arg5[%get3A_352] {strides = array<i32>} : memref<544xf32, #tpu.memory_space<vmem>>, vector<16xf32>,
      %get3A_354 = arith.constant 357 : index
      %get3A_355 = tpu.vector_load %arg5[%get3A_354] {strides = array<i32>} : memref<544xf32, #tpu.memory_space<vmem>>, vector<16xf32>,
      %get3A_356 = arith.constant 374 : index
      %get3A_357 = tpu.vector_load %arg5[%get3A_356] {strides = array<i32>} : memref<544xf32, #tpu.memory_space<vmem>>, vector<16xf32>,
      %get3A_358 = arith.constant 391 : index
      %get3A_359 = tpu.vector_load %arg5[%get3A_358] {strides = array<i32>} : memref<544xf32, #tpu.memory_space<vmem>>, vector<16xf32>,
      %get3A_360 = arith.constant 408 : index
      %get3A_361 = tpu.vector_load %arg5[%get3A_360] {strides = array<i32>} : memref<544xf32, #tpu.memory_space<vmem>>, vector<16xf32>,
      %get3A_362 = arith.constant 425 : index
      %get3A_363 = tpu.vector_load %arg5[%get3A_362] {strides = array<i32>} : memref<544xf32, #tpu.memory_space<vmem>>, vector<16xf32>,
      %get3A_364 = arith.constant 442 : index
      %get3A_365 = tpu.vector_load %arg5[%get3A_364] {strides = array<i32>} : memref<544xf32, #tpu.memory_space<vmem>>, vector<16xf32>,
      %get3A_366 = arith.constant 459 : index
      %get3A_367 = tpu.vector_load %arg5[%get3A_366] {strides = array<i32>} : memref<544xf32, #tpu.memory_space<vmem>>, vector<16xf32>,
      %get3A_368 = arith.constant 476 : index
      %get3A_369 = tpu.vector_load %arg5[%get3A_368] {strides = array<i32>} : memref<544xf32, #tpu.memory_space<vmem>>, vector<16xf32>,
      %get3A_370 = arith.constant 493 : index
      %get3A_371 = tpu.vector_load %arg5[%get3A_370] {strides = array<i32>} : memref<544xf32, #tpu.memory_space<vmem>>, vector<16xf32>,
      %get3A_372 = arith.constant 510 : index
      %get3A_373 = tpu.vector_load %arg5[%get3A_372] {strides = array<i32>} : memref<544xf32, #tpu.memory_space<vmem>>, vector<16xf32>,
      %get3A_374 = arith.constant 527 : index
      %get3A_375 = tpu.vector_load %arg5[%get3A_374] {strides = array<i32>} : memref<544xf32, #tpu.memory_space<vmem>>, vector<16xf32>,
      %max3A = arith.maximumf %get3A_313, %get3A_315 : vector<16xf32>
      %min3A = arith.minimumf %get3A_313, %get3A_315 : vector<16xf32>
      %max3A_376 = arith.maximumf %get3A_317, %get3A_319 : vector<16xf32>
      %min3A_377 = arith.minimumf %get3A_317, %get3A_319 : vector<16xf32>
      %max3A_378 = arith.maximumf %get3A_321, %get3A_323 : vector<16xf32>
      %min3A_379 = arith.minimumf %get3A_321, %get3A_323 : vector<16xf32>
      %max3A_380 = arith.maximumf %get3A_325, %get3A_327 : vector<16xf32>
      %min3A_381 = arith.minimumf %get3A_325, %get3A_327 : vector<16xf32>
      %max3A_382 = arith.maximumf %get3A_329, %get3A_331 : vector<16xf32>
      %min3A_383 = arith.minimumf %get3A_329, %get3A_331 : vector<16xf32>
      %max3A_384 = arith.maximumf %get3A_333, %get3A_335 : vector<16xf32>
      %min3A_385 = arith.minimumf %get3A_333, %get3A_335 : vector<16xf32>
      %max3A_386 = arith.maximumf %get3A_337, %get3A_339 : vector<16xf32>
      %min3A_387 = arith.minimumf %get3A_337, %get3A_339 : vector<16xf32>
      %max3A_388 = arith.maximumf %get3A_341, %get3A_343 : vector<16xf32>
      %min3A_389 = arith.minimumf %get3A_341, %get3A_343 : vector<16xf32>
      %max3A_390 = arith.maximumf %get3A_345, %get3A_347 : vector<16xf32>
      %min3A_391 = arith.minimumf %get3A_345, %get3A_347 : vector<16xf32>
      %max3A_392 = arith.maximumf %get3A_349, %get3A_351 : vector<16xf32>
      %min3A_393 = arith.minimumf %get3A_349, %get3A_351 : vector<16xf32>
      %max3A_394 = arith.maximumf %get3A_353, %get3A_355 : vector<16xf32>
      %min3A_395 = arith.minimumf %get3A_353, %get3A_355 : vector<16xf32>
      %max3A_396 = arith.maximumf %get3A_357, %get3A_359 : vector<16xf32>
      %min3A_397 = arith.minimumf %get3A_357, %get3A_359 : vector<16xf32>
      %max3A_398 = arith.maximumf %get3A_361, %get3A_363 : vector<16xf32>
      %min3A_399 = arith.minimumf %get3A_361, %get3A_363 : vector<16xf32>
      %max3A_400 = arith.maximumf %get3A_365, %get3A_367 : vector<16xf32>
      %min3A_401 = arith.minimumf %get3A_365, %get3A_367 : vector<16xf32>
      %max3A_402 = arith.maximumf %get3A_369, %get3A_371 : vector<16xf32>
      %min3A_403 = arith.minimumf %get3A_369, %get3A_371 : vector<16xf32>
      %max3A_404 = arith.maximumf %get3A_373, %get3A_375 : vector<16xf32>
      %min3A_405 = arith.minimumf %get3A_373, %get3A_375 : vector<16xf32>
      %max3A_406 = arith.maximumf %max3A, %max3A_376 : vector<16xf32>
      %min3A_407 = arith.minimumf %max3A, %max3A_376 : vector<16xf32>
      %max3A_408 = arith.maximumf %min3A, %min3A_377 : vector<16xf32>
      %min3A_409 = arith.minimumf %min3A, %min3A_377 : vector<16xf32>
      %max3A_410 = arith.maximumf %min3A_407, %max3A_408 : vector<16xf32>
      %min3A_411 = arith.minimumf %min3A_407, %max3A_408 : vector<16xf32>
      %max3A_412 = arith.maximumf %max3A_378, %max3A_380 : vector<16xf32>
      %min3A_413 = arith.minimumf %max3A_378, %max3A_380 : vector<16xf32>
      %max3A_414 = arith.maximumf %min3A_379, %min3A_381 : vector<16xf32>
      %min3A_415 = arith.minimumf %min3A_379, %min3A_381 : vector<16xf32>
      %max3A_416 = arith.maximumf %min3A_413, %max3A_414 : vector<16xf32>
      %min3A_417 = arith.minimumf %min3A_413, %max3A_414 : vector<16xf32>
      %max3A_418 = arith.maximumf %max3A_382, %max3A_384 : vector<16xf32>
      %min3A_419 = arith.minimumf %max3A_382, %max3A_384 : vector<16xf32>
      %max3A_420 = arith.maximumf %min3A_383, %min3A_385 : vector<16xf32>
      %min3A_421 = arith.minimumf %min3A_383, %min3A_385 : vector<16xf32>
      %max3A_422 = arith.maximumf %min3A_419, %max3A_420 : vector<16xf32>
      %min3A_423 = arith.minimumf %min3A_419, %max3A_420 : vector<16xf32>
      %max3A_424 = arith.maximumf %max3A_386, %max3A_388 : vector<16xf32>
      %min3A_425 = arith.minimumf %max3A_386, %max3A_388 : vector<16xf32>
      %max3A_426 = arith.maximumf %min3A_387, %min3A_389 : vector<16xf32>
      %min3A_427 = arith.minimumf %min3A_387, %min3A_389 : vector<16xf32>
      %max3A_428 = arith.maximumf %min3A_425, %max3A_426 : vector<16xf32>
      %min3A_429 = arith.minimumf %min3A_425, %max3A_426 : vector<16xf32>
      %max3A_430 = arith.maximumf %max3A_390, %max3A_392 : vector<16xf32>
      %min3A_431 = arith.minimumf %max3A_390, %max3A_392 : vector<16xf32>
      %max3A_432 = arith.maximumf %min3A_391, %min3A_393 : vector<16xf32>
      %min3A_433 = arith.minimumf %min3A_391, %min3A_393 : vector<16xf32>
      %max3A_434 = arith.maximumf %min3A_431, %max3A_432 : vector<16xf32>
      %min3A_435 = arith.minimumf %min3A_431, %max3A_432 : vector<16xf32>
      %max3A_436 = arith.maximumf %max3A_394, %max3A_396 : vector<16xf32>
      %min3A_437 = arith.minimumf %max3A_394, %max3A_396 : vector<16xf32>
      %max3A_438 = arith.maximumf %min3A_395, %min3A_397 : vector<16xf32>
      %min3A_439 = arith.minimumf %min3A_395, %min3A_397 : vector<16xf32>
      %max3A_440 = arith.maximumf %min3A_437, %max3A_438 : vector<16xf32>
      %min3A_441 = arith.minimumf %min3A_437, %max3A_438 : vector<16xf32>
      %max3A_442 = arith.maximumf %max3A_398, %max3A_400 : vector<16xf32>
      %min3A_443 = arith.minimumf %max3A_398, %max3A_400 : vector<16xf32>
      %max3A_444 = arith.maximumf %min3A_399, %min3A_401 : vector<16xf32>
      %min3A_445 = arith.minimumf %min3A_399, %min3A_401 : vector<16xf32>
      %max3A_446 = arith.maximumf %min3A_443, %max3A_444 : vector<16xf32>
      %min3A_447 = arith.minimumf %min3A_443, %max3A_444 : vector<16xf32>
      %max3A_448 = arith.maximumf %max3A_402, %max3A_404 : vector<16xf32>
      %min3A_449 = arith.minimumf %max3A_402, %max3A_404 : vector<16xf32>
      %max3A_450 = arith.maximumf %min3A_403, %min3A_405 : vector<16xf32>
      %min3A_451 = arith.minimumf %min3A_403, %min3A_405 : vector<16xf32>
      %max3A_452 = arith.maximumf %min3A_449, %max3A_450 : vector<16xf32>
      %min3A_453 = arith.minimumf %min3A_449, %max3A_450 : vector<16xf32>
      %max3A_454 = arith.maximumf %max3A_406, %min3A_415 : vector<16xf32>
      %max3A_455 = arith.maximumf %max3A_410, %min3A_417 : vector<16xf32>
      %max3A_456 = arith.maximumf %min3A_411, %max3A_416 : vector<16xf32>
      %max3A_457 = arith.maximumf %min3A_409, %max3A_412 : vector<16xf32>
      %max3A_458 = arith.maximumf %max3A_454, %max3A_456 : vector<16xf32>
      %min3A_459 = arith.minimumf %max3A_454, %max3A_456 : vector<16xf32>
      %max3A_460 = arith.maximumf %max3A_455, %max3A_457 : vector<16xf32>
      %min3A_461 = arith.minimumf %max3A_455, %max3A_457 : vector<16xf32>
      %max3A_462 = arith.maximumf %max3A_458, %max3A_460 : vector<16xf32>
      %min3A_463 = arith.minimumf %max3A_458, %max3A_460 : vector<16xf32>
      %max3A_464 = arith.maximumf %min3A_459, %min3A_461 : vector<16xf32>
      %min3A_465 = arith.minimumf %min3A_459, %min3A_461 : vector<16xf32>
      %max3A_466 = arith.maximumf %max3A_418, %min3A_427 : vector<16xf32>
      %max3A_467 = arith.maximumf %max3A_422, %min3A_429 : vector<16xf32>
      %max3A_468 = arith.maximumf %min3A_423, %max3A_428 : vector<16xf32>
      %max3A_469 = arith.maximumf %min3A_421, %max3A_424 : vector<16xf32>
      %max3A_470 = arith.maximumf %max3A_466, %max3A_468 : vector<16xf32>
      %min3A_471 = arith.minimumf %max3A_466, %max3A_468 : vector<16xf32>
      %max3A_472 = arith.maximumf %max3A_467, %max3A_469 : vector<16xf32>
      %min3A_473 = arith.minimumf %max3A_467, %max3A_469 : vector<16xf32>
      %max3A_474 = arith.maximumf %max3A_470, %max3A_472 : vector<16xf32>
      %min3A_475 = arith.minimumf %max3A_470, %max3A_472 : vector<16xf32>
      %max3A_476 = arith.maximumf %min3A_471, %min3A_473 : vector<16xf32>
      %min3A_477 = arith.minimumf %min3A_471, %min3A_473 : vector<16xf32>
      %max3A_478 = arith.maximumf %max3A_430, %min3A_439 : vector<16xf32>
      %max3A_479 = arith.maximumf %max3A_434, %min3A_441 : vector<16xf32>
      %max3A_480 = arith.maximumf %min3A_435, %max3A_440 : vector<16xf32>
      %max3A_481 = arith.maximumf %min3A_433, %max3A_436 : vector<16xf32>
      %max3A_482 = arith.maximumf %max3A_478, %max3A_480 : vector<16xf32>
      %min3A_483 = arith.minimumf %max3A_478, %max3A_480 : vector<16xf32>
      %max3A_484 = arith.maximumf %max3A_479, %max3A_481 : vector<16xf32>
      %min3A_485 = arith.minimumf %max3A_479, %max3A_481 : vector<16xf32>
      %max3A_486 = arith.maximumf %max3A_482, %max3A_484 : vector<16xf32>
      %min3A_487 = arith.minimumf %max3A_482, %max3A_484 : vector<16xf32>
      %max3A_488 = arith.maximumf %min3A_483, %min3A_485 : vector<16xf32>
      %min3A_489 = arith.minimumf %min3A_483, %min3A_485 : vector<16xf32>
      %max3A_490 = arith.maximumf %max3A_442, %min3A_451 : vector<16xf32>
      %max3A_491 = arith.maximumf %max3A_446, %min3A_453 : vector<16xf32>
      %max3A_492 = arith.maximumf %min3A_447, %max3A_452 : vector<16xf32>
      %max3A_493 = arith.maximumf %min3A_445, %max3A_448 : vector<16xf32>
      %max3A_494 = arith.maximumf %max3A_490, %max3A_492 : vector<16xf32>
      %min3A_495 = arith.minimumf %max3A_490, %max3A_492 : vector<16xf32>
      %max3A_496 = arith.maximumf %max3A_491, %max3A_493 : vector<16xf32>
      %min3A_497 = arith.minimumf %max3A_491, %max3A_493 : vector<16xf32>
      %max3A_498 = arith.maximumf %max3A_494, %max3A_496 : vector<16xf32>
      %min3A_499 = arith.minimumf %max3A_494, %max3A_496 : vector<16xf32>
      %max3A_500 = arith.maximumf %min3A_495, %min3A_497 : vector<16xf32>
      %min3A_501 = arith.minimumf %min3A_495, %min3A_497 : vector<16xf32>
      %max3A_502 = arith.maximumf %max3A_462, %min3A_477 : vector<16xf32>
      %max3A_503 = arith.maximumf %min3A_463, %max3A_476 : vector<16xf32>
      %max3A_504 = arith.maximumf %max3A_464, %min3A_475 : vector<16xf32>
      %max3A_505 = arith.maximumf %min3A_465, %max3A_474 : vector<16xf32>
      %max3A_506 = arith.maximumf %max3A_502, %max3A_504 : vector<16xf32>
      %min3A_507 = arith.minimumf %max3A_502, %max3A_504 : vector<16xf32>
      %max3A_508 = arith.maximumf %max3A_503, %max3A_505 : vector<16xf32>
      %min3A_509 = arith.minimumf %max3A_503, %max3A_505 : vector<16xf32>
      %max3A_510 = arith.maximumf %max3A_506, %max3A_508 : vector<16xf32>
      %min3A_511 = arith.minimumf %max3A_506, %max3A_508 : vector<16xf32>
      %max3A_512 = arith.maximumf %min3A_507, %min3A_509 : vector<16xf32>
      %min3A_513 = arith.minimumf %min3A_507, %min3A_509 : vector<16xf32>
      %max3A_514 = arith.maximumf %max3A_486, %min3A_501 : vector<16xf32>
      %max3A_515 = arith.maximumf %min3A_487, %max3A_500 : vector<16xf32>
      %max3A_516 = arith.maximumf %max3A_488, %min3A_499 : vector<16xf32>
      %max3A_517 = arith.maximumf %min3A_489, %max3A_498 : vector<16xf32>
      %max3A_518 = arith.maximumf %max3A_514, %max3A_516 : vector<16xf32>
      %min3A_519 = arith.minimumf %max3A_514, %max3A_516 : vector<16xf32>
      %max3A_520 = arith.maximumf %max3A_515, %max3A_517 : vector<16xf32>
      %min3A_521 = arith.minimumf %max3A_515, %max3A_517 : vector<16xf32>
      %max3A_522 = arith.maximumf %max3A_518, %max3A_520 : vector<16xf32>
      %min3A_523 = arith.minimumf %max3A_518, %max3A_520 : vector<16xf32>
      %max3A_524 = arith.maximumf %min3A_519, %min3A_521 : vector<16xf32>
      %min3A_525 = arith.minimumf %min3A_519, %min3A_521 : vector<16xf32>
      %max3A_526 = arith.maximumf %max3A_510, %min3A_525 : vector<16xf32>
      %max3A_527 = arith.maximumf %min3A_511, %max3A_524 : vector<16xf32>
      %max3A_528 = arith.maximumf %max3A_512, %min3A_523 : vector<16xf32>
      %max3A_529 = arith.maximumf %min3A_513, %max3A_522 : vector<16xf32>
      %min3A_530 = arith.minimumf %max3A_526, %max3A_527 : vector<16xf32>
      %min3A_531 = arith.minimumf %max3A_528, %max3A_529 : vector<16xf32>
      %min3A_532 = arith.minimumf %min3A_530, %min3A_531 : vector<16xf32>
      %get3A_533 = arith.constant 0 : index
      %get3A_534 = tpu.vector_load %arg5[%get3A_533] {strides = array<i32>} : memref<544xf32, #tpu.memory_space<vmem>>, vector<16xf32>,
      %ge3A = arith.cmpf oge, %get3A_534, %min3A_532 : vector<16xf32>
      %select_n3A_535 = arith.select %ge3A, %broadcast_in_dim3A_33, %broadcast_in_dim3A_35 : vector<16xi1>, vector<16xi32>
      %add3A_536 = arith.addi %broadcast_in_dim3A_35, %select_n3A_535 : vector<16xi32>
      %get3A_537 = arith.constant 17 : index
      %get3A_538 = tpu.vector_load %arg5[%get3A_537] {strides = array<i32>} : memref<544xf32, #tpu.memory_space<vmem>>, vector<16xf32>,
      %ge3A_539 = arith.cmpf oge, %get3A_538, %min3A_532 : vector<16xf32>
      %select_n3A_540 = arith.select %ge3A_539, %broadcast_in_dim3A_33, %broadcast_in_dim3A_35 : vector<16xi1>, vector<16xi32>
      %add3A_541 = arith.addi %add3A_536, %select_n3A_540 : vector<16xi32>
      %get3A_542 = arith.constant 34 : index
      %get3A_543 = tpu.vector_load %arg5[%get3A_542] {strides = array<i32>} : memref<544xf32, #tpu.memory_space<vmem>>, vector<16xf32>,
      %ge3A_544 = arith.cmpf oge, %get3A_543, %min3A_532 : vector<16xf32>
      %select_n3A_545 = arith.select %ge3A_544, %broadcast_in_dim3A_33, %broadcast_in_dim3A_35 : vector<16xi1>, vector<16xi32>
      %add3A_546 = arith.addi %add3A_541, %select_n3A_545 : vector<16xi32>
      %get3A_547 = arith.constant 51 : index
      %get3A_548 = tpu.vector_load %arg5[%get3A_547] {strides = array<i32>} : memref<544xf32, #tpu.memory_space<vmem>>, vector<16xf32>,
      %ge3A_549 = arith.cmpf oge, %get3A_548, %min3A_532 : vector<16xf32>
      %select_n3A_550 = arith.select %ge3A_549, %broadcast_in_dim3A_33, %broadcast_in_dim3A_35 : vector<16xi1>, vector<16xi32>
      %add3A_551 = arith.addi %add3A_546, %select_n3A_550 : vector<16xi32>
      %get3A_552 = arith.constant 68 : index
      %get3A_553 = tpu.vector_load %arg5[%get3A_552] {strides = array<i32>} : memref<544xf32, #tpu.memory_space<vmem>>, vector<16xf32>,
      %ge3A_554 = arith.cmpf oge, %get3A_553, %min3A_532 : vector<16xf32>
      %select_n3A_555 = arith.select %ge3A_554, %broadcast_in_dim3A_33, %broadcast_in_dim3A_35 : vector<16xi1>, vector<16xi32>
      %add3A_556 = arith.addi %add3A_551, %select_n3A_555 : vector<16xi32>
      %get3A_557 = arith.constant 85 : index
      %get3A_558 = tpu.vector_load %arg5[%get3A_557] {strides = array<i32>} : memref<544xf32, #tpu.memory_space<vmem>>, vector<16xf32>,
      %ge3A_559 = arith.cmpf oge, %get3A_558, %min3A_532 : vector<16xf32>
      %select_n3A_560 = arith.select %ge3A_559, %broadcast_in_dim3A_33, %broadcast_in_dim3A_35 : vector<16xi1>, vector<16xi32>
      %add3A_561 = arith.addi %add3A_556, %select_n3A_560 : vector<16xi32>
      %get3A_562 = arith.constant 102 : index
      %get3A_563 = tpu.vector_load %arg5[%get3A_562] {strides = array<i32>} : memref<544xf32, #tpu.memory_space<vmem>>, vector<16xf32>,
      %ge3A_564 = arith.cmpf oge, %get3A_563, %min3A_532 : vector<16xf32>
      %select_n3A_565 = arith.select %ge3A_564, %broadcast_in_dim3A_33, %broadcast_in_dim3A_35 : vector<16xi1>, vector<16xi32>
      %add3A_566 = arith.addi %add3A_561, %select_n3A_565 : vector<16xi32>
      %get3A_567 = arith.constant 119 : index
      %get3A_568 = tpu.vector_load %arg5[%get3A_567] {strides = array<i32>} : memref<544xf32, #tpu.memory_space<vmem>>, vector<16xf32>,
      %ge3A_569 = arith.cmpf oge, %get3A_568, %min3A_532 : vector<16xf32>
      %select_n3A_570 = arith.select %ge3A_569, %broadcast_in_dim3A_33, %broadcast_in_dim3A_35 : vector<16xi1>, vector<16xi32>
      %add3A_571 = arith.addi %add3A_566, %select_n3A_570 : vector<16xi32>
      %get3A_572 = arith.constant 136 : index
      %get3A_573 = tpu.vector_load %arg5[%get3A_572] {strides = array<i32>} : memref<544xf32, #tpu.memory_space<vmem>>, vector<16xf32>,
      %ge3A_574 = arith.cmpf oge, %get3A_573, %min3A_532 : vector<16xf32>
      %select_n3A_575 = arith.select %ge3A_574, %broadcast_in_dim3A_33, %broadcast_in_dim3A_35 : vector<16xi1>, vector<16xi32>
      %add3A_576 = arith.addi %add3A_571, %select_n3A_575 : vector<16xi32>
      %get3A_577 = arith.constant 153 : index
      %get3A_578 = tpu.vector_load %arg5[%get3A_577] {strides = array<i32>} : memref<544xf32, #tpu.memory_space<vmem>>, vector<16xf32>,
      %ge3A_579 = arith.cmpf oge, %get3A_578, %min3A_532 : vector<16xf32>
      %select_n3A_580 = arith.select %ge3A_579, %broadcast_in_dim3A_33, %broadcast_in_dim3A_35 : vector<16xi1>, vector<16xi32>
      %add3A_581 = arith.addi %add3A_576, %select_n3A_580 : vector<16xi32>
      %get3A_582 = arith.constant 170 : index
      %get3A_583 = tpu.vector_load %arg5[%get3A_582] {strides = array<i32>} : memref<544xf32, #tpu.memory_space<vmem>>, vector<16xf32>,
      %ge3A_584 = arith.cmpf oge, %get3A_583, %min3A_532 : vector<16xf32>
      %select_n3A_585 = arith.select %ge3A_584, %broadcast_in_dim3A_33, %broadcast_in_dim3A_35 : vector<16xi1>, vector<16xi32>
      %add3A_586 = arith.addi %add3A_581, %select_n3A_585 : vector<16xi32>
      %get3A_587 = arith.constant 187 : index
      %get3A_588 = tpu.vector_load %arg5[%get3A_587] {strides = array<i32>} : memref<544xf32, #tpu.memory_space<vmem>>, vector<16xf32>,
      %ge3A_589 = arith.cmpf oge, %get3A_588, %min3A_532 : vector<16xf32>
      %select_n3A_590 = arith.select %ge3A_589, %broadcast_in_dim3A_33, %broadcast_in_dim3A_35 : vector<16xi1>, vector<16xi32>
      %add3A_591 = arith.addi %add3A_586, %select_n3A_590 : vector<16xi32>
      %get3A_592 = arith.constant 204 : index
      %get3A_593 = tpu.vector_load %arg5[%get3A_592] {strides = array<i32>} : memref<544xf32, #tpu.memory_space<vmem>>, vector<16xf32>,
      %ge3A_594 = arith.cmpf oge, %get3A_593, %min3A_532 : vector<16xf32>
      %select_n3A_595 = arith.select %ge3A_594, %broadcast_in_dim3A_33, %broadcast_in_dim3A_35 : vector<16xi1>, vector<16xi32>
      %add3A_596 = arith.addi %add3A_591, %select_n3A_595 : vector<16xi32>
      %get3A_597 = arith.constant 221 : index
      %get3A_598 = tpu.vector_load %arg5[%get3A_597] {strides = array<i32>} : memref<544xf32, #tpu.memory_space<vmem>>, vector<16xf32>,
      %ge3A_599 = arith.cmpf oge, %get3A_598, %min3A_532 : vector<16xf32>
      %select_n3A_600 = arith.select %ge3A_599, %broadcast_in_dim3A_33, %broadcast_in_dim3A_35 : vector<16xi1>, vector<16xi32>
      %add3A_601 = arith.addi %add3A_596, %select_n3A_600 : vector<16xi32>
      %get3A_602 = arith.constant 238 : index
      %get3A_603 = tpu.vector_load %arg5[%get3A_602] {strides = array<i32>} : memref<544xf32, #tpu.memory_space<vmem>>, vector<16xf32>,
      %ge3A_604 = arith.cmpf oge, %get3A_603, %min3A_532 : vector<16xf32>
      %select_n3A_605 = arith.select %ge3A_604, %broadcast_in_dim3A_33, %broadcast_in_dim3A_35 : vector<16xi1>, vector<16xi32>
      %add3A_606 = arith.addi %add3A_601, %select_n3A_605 : vector<16xi32>
      %get3A_607 = arith.constant 255 : index
      %get3A_608 = tpu.vector_load %arg5[%get3A_607] {strides = array<i32>} : memref<544xf32, #tpu.memory_space<vmem>>, vector<16xf32>,
      %ge3A_609 = arith.cmpf oge, %get3A_608, %min3A_532 : vector<16xf32>
      %select_n3A_610 = arith.select %ge3A_609, %broadcast_in_dim3A_33, %broadcast_in_dim3A_35 : vector<16xi1>, vector<16xi32>
      %add3A_611 = arith.addi %add3A_606, %select_n3A_610 : vector<16xi32>
      %get3A_612 = arith.constant 272 : index
      %get3A_613 = tpu.vector_load %arg5[%get3A_612] {strides = array<i32>} : memref<544xf32, #tpu.memory_space<vmem>>, vector<16xf32>,
      %ge3A_614 = arith.cmpf oge, %get3A_613, %min3A_532 : vector<16xf32>
      %select_n3A_615 = arith.select %ge3A_614, %broadcast_in_dim3A_33, %broadcast_in_dim3A_35 : vector<16xi1>, vector<16xi32>
      %add3A_616 = arith.addi %add3A_611, %select_n3A_615 : vector<16xi32>
      %get3A_617 = arith.constant 289 : index
      %get3A_618 = tpu.vector_load %arg5[%get3A_617] {strides = array<i32>} : memref<544xf32, #tpu.memory_space<vmem>>, vector<16xf32>,
      %ge3A_619 = arith.cmpf oge, %get3A_618, %min3A_532 : vector<16xf32>
      %select_n3A_620 = arith.select %ge3A_619, %broadcast_in_dim3A_33, %broadcast_in_dim3A_35 : vector<16xi1>, vector<16xi32>
      %add3A_621 = arith.addi %add3A_616, %select_n3A_620 : vector<16xi32>
      %get3A_622 = arith.constant 306 : index
      %get3A_623 = tpu.vector_load %arg5[%get3A_622] {strides = array<i32>} : memref<544xf32, #tpu.memory_space<vmem>>, vector<16xf32>,
      %ge3A_624 = arith.cmpf oge, %get3A_623, %min3A_532 : vector<16xf32>
      %select_n3A_625 = arith.select %ge3A_624, %broadcast_in_dim3A_33, %broadcast_in_dim3A_35 : vector<16xi1>, vector<16xi32>
      %add3A_626 = arith.addi %add3A_621, %select_n3A_625 : vector<16xi32>
      %get3A_627 = arith.constant 323 : index
      %get3A_628 = tpu.vector_load %arg5[%get3A_627] {strides = array<i32>} : memref<544xf32, #tpu.memory_space<vmem>>, vector<16xf32>,
      %ge3A_629 = arith.cmpf oge, %get3A_628, %min3A_532 : vector<16xf32>
      %select_n3A_630 = arith.select %ge3A_629, %broadcast_in_dim3A_33, %broadcast_in_dim3A_35 : vector<16xi1>, vector<16xi32>
      %add3A_631 = arith.addi %add3A_626, %select_n3A_630 : vector<16xi32>
      %get3A_632 = arith.constant 340 : index
      %get3A_633 = tpu.vector_load %arg5[%get3A_632] {strides = array<i32>} : memref<544xf32, #tpu.memory_space<vmem>>, vector<16xf32>,
      %ge3A_634 = arith.cmpf oge, %get3A_633, %min3A_532 : vector<16xf32>
      %select_n3A_635 = arith.select %ge3A_634, %broadcast_in_dim3A_33, %broadcast_in_dim3A_35 : vector<16xi1>, vector<16xi32>
      %add3A_636 = arith.addi %add3A_631, %select_n3A_635 : vector<16xi32>
      %get3A_637 = arith.constant 357 : index
      %get3A_638 = tpu.vector_load %arg5[%get3A_637] {strides = array<i32>} : memref<544xf32, #tpu.memory_space<vmem>>, vector<16xf32>,
      %ge3A_639 = arith.cmpf oge, %get3A_638, %min3A_532 : vector<16xf32>
      %select_n3A_640 = arith.select %ge3A_639, %broadcast_in_dim3A_33, %broadcast_in_dim3A_35 : vector<16xi1>, vector<16xi32>
      %add3A_641 = arith.addi %add3A_636, %select_n3A_640 : vector<16xi32>
      %get3A_642 = arith.constant 374 : index
      %get3A_643 = tpu.vector_load %arg5[%get3A_642] {strides = array<i32>} : memref<544xf32, #tpu.memory_space<vmem>>, vector<16xf32>,
      %ge3A_644 = arith.cmpf oge, %get3A_643, %min3A_532 : vector<16xf32>
      %select_n3A_645 = arith.select %ge3A_644, %broadcast_in_dim3A_33, %broadcast_in_dim3A_35 : vector<16xi1>, vector<16xi32>
      %add3A_646 = arith.addi %add3A_641, %select_n3A_645 : vector<16xi32>
      %get3A_647 = arith.constant 391 : index
      %get3A_648 = tpu.vector_load %arg5[%get3A_647] {strides = array<i32>} : memref<544xf32, #tpu.memory_space<vmem>>, vector<16xf32>,
      %ge3A_649 = arith.cmpf oge, %get3A_648, %min3A_532 : vector<16xf32>
      %select_n3A_650 = arith.select %ge3A_649, %broadcast_in_dim3A_33, %broadcast_in_dim3A_35 : vector<16xi1>, vector<16xi32>
      %add3A_651 = arith.addi %add3A_646, %select_n3A_650 : vector<16xi32>
      %get3A_652 = arith.constant 408 : index
      %get3A_653 = tpu.vector_load %arg5[%get3A_652] {strides = array<i32>} : memref<544xf32, #tpu.memory_space<vmem>>, vector<16xf32>,
      %ge3A_654 = arith.cmpf oge, %get3A_653, %min3A_532 : vector<16xf32>
      %select_n3A_655 = arith.select %ge3A_654, %broadcast_in_dim3A_33, %broadcast_in_dim3A_35 : vector<16xi1>, vector<16xi32>
      %add3A_656 = arith.addi %add3A_651, %select_n3A_655 : vector<16xi32>
      %get3A_657 = arith.constant 425 : index
      %get3A_658 = tpu.vector_load %arg5[%get3A_657] {strides = array<i32>} : memref<544xf32, #tpu.memory_space<vmem>>, vector<16xf32>,
      %ge3A_659 = arith.cmpf oge, %get3A_658, %min3A_532 : vector<16xf32>
      %select_n3A_660 = arith.select %ge3A_659, %broadcast_in_dim3A_33, %broadcast_in_dim3A_35 : vector<16xi1>, vector<16xi32>
      %add3A_661 = arith.addi %add3A_656, %select_n3A_660 : vector<16xi32>
      %get3A_662 = arith.constant 442 : index
      %get3A_663 = tpu.vector_load %arg5[%get3A_662] {strides = array<i32>} : memref<544xf32, #tpu.memory_space<vmem>>, vector<16xf32>,
      %ge3A_664 = arith.cmpf oge, %get3A_663, %min3A_532 : vector<16xf32>
      %select_n3A_665 = arith.select %ge3A_664, %broadcast_in_dim3A_33, %broadcast_in_dim3A_35 : vector<16xi1>, vector<16xi32>
      %add3A_666 = arith.addi %add3A_661, %select_n3A_665 : vector<16xi32>
      %get3A_667 = arith.constant 459 : index
      %get3A_668 = tpu.vector_load %arg5[%get3A_667] {strides = array<i32>} : memref<544xf32, #tpu.memory_space<vmem>>, vector<16xf32>,
      %ge3A_669 = arith.cmpf oge, %get3A_668, %min3A_532 : vector<16xf32>
      %select_n3A_670 = arith.select %ge3A_669, %broadcast_in_dim3A_33, %broadcast_in_dim3A_35 : vector<16xi1>, vector<16xi32>
      %add3A_671 = arith.addi %add3A_666, %select_n3A_670 : vector<16xi32>
      %get3A_672 = arith.constant 476 : index
      %get3A_673 = tpu.vector_load %arg5[%get3A_672] {strides = array<i32>} : memref<544xf32, #tpu.memory_space<vmem>>, vector<16xf32>,
      %ge3A_674 = arith.cmpf oge, %get3A_673, %min3A_532 : vector<16xf32>
      %select_n3A_675 = arith.select %ge3A_674, %broadcast_in_dim3A_33, %broadcast_in_dim3A_35 : vector<16xi1>, vector<16xi32>
      %add3A_676 = arith.addi %add3A_671, %select_n3A_675 : vector<16xi32>
      %get3A_677 = arith.constant 493 : index
      %get3A_678 = tpu.vector_load %arg5[%get3A_677] {strides = array<i32>} : memref<544xf32, #tpu.memory_space<vmem>>, vector<16xf32>,
      %ge3A_679 = arith.cmpf oge, %get3A_678, %min3A_532 : vector<16xf32>
      %select_n3A_680 = arith.select %ge3A_679, %broadcast_in_dim3A_33, %broadcast_in_dim3A_35 : vector<16xi1>, vector<16xi32>
      %add3A_681 = arith.addi %add3A_676, %select_n3A_680 : vector<16xi32>
      %get3A_682 = arith.constant 510 : index
      %get3A_683 = tpu.vector_load %arg5[%get3A_682] {strides = array<i32>} : memref<544xf32, #tpu.memory_space<vmem>>, vector<16xf32>,
      %ge3A_684 = arith.cmpf oge, %get3A_683, %min3A_532 : vector<16xf32>
      %select_n3A_685 = arith.select %ge3A_684, %broadcast_in_dim3A_33, %broadcast_in_dim3A_35 : vector<16xi1>, vector<16xi32>
      %add3A_686 = arith.addi %add3A_681, %select_n3A_685 : vector<16xi32>
      %get3A_687 = arith.constant 527 : index
      %get3A_688 = tpu.vector_load %arg5[%get3A_687] {strides = array<i32>} : memref<544xf32, #tpu.memory_space<vmem>>, vector<16xf32>,
      %ge3A_689 = arith.cmpf oge, %get3A_688, %min3A_532 : vector<16xf32>
      %select_n3A_690 = arith.select %ge3A_689, %broadcast_in_dim3A_33, %broadcast_in_dim3A_35 : vector<16xi1>, vector<16xi32>
      %add3A_691 = arith.addi %add3A_686, %select_n3A_690 : vector<16xi32>
      %add3A_692 = arith.addi %scan3A_54, %add3A_691 : vector<16xi32>
      %mul3A_693 = arith.constant 2 : i32
      %mul3A_694 = arith.muli %mul3A_693, %scan3A_53 : i32
      %add3A_695 = arith.constant 1 : i32
      %add3A_696 = arith.addi %mul3A_694, %add3A_695 : i32
      %mul3A_697 = arith.constant 16 : i32
      %mul3A_698 = arith.muli %add3A_696, %mul3A_697 : i32
      %add3A_699 = arith.constant 0 : i32
      %add3A_700 = arith.addi %mul3A_698, %add3A_699 : i32
      %get3A_701 = arith.index_cast %add3A_700 : i32 to index
      %get3A_702 = arith.constant 0 : index
      %get3A_703 = tpu.vector_load %arg4[%get3A_701, %get3A_702] {strides = array<i32>} : memref<512x32xf32, #tpu.memory_space<vmem>>, vector<16xf32>,
      %get3A_704 = arith.index_cast %add3A_700 : i32 to index
      %get3A_705 = arith.constant 16 : index
      %get3A_706 = tpu.vector_load %arg4[%get3A_704, %get3A_705] {strides = array<i32>} : memref<512x32xf32, #tpu.memory_space<vmem>>, vector<16xf32>,
      %add3A_707 = arith.constant 0 : i32
      %add3A_708 = vector.broadcast %add3A_707 : i32 to vector<16xi32>
      %add3A_709 = arith.addi %mul3A_38, %add3A_708 : vector<16xi32>
      tpu.vector_store_idx %arg6[%add3A_709], %get3A_703 : memref<544xf32, #tpu.memory_space<vmem>>[vector<16xi32>], vector<16xf32>,
      %add3A_710 = arith.constant 0 : i32
      %add3A_711 = vector.broadcast %add3A_710 : i32 to vector<16xi32>
      %add3A_712 = arith.addi %mul3A_44, %add3A_711 : vector<16xi32>
      tpu.vector_store_idx %arg6[%add3A_712], %get3A_706 : memref<544xf32, #tpu.memory_space<vmem>>[vector<16xi32>], vector<16xf32>,
      %mul3A_713 = arith.constant 16 : i32
      %mul3A_714 = arith.muli %add3A_696, %mul3A_713 : i32
      %add3A_715 = arith.constant 1 : i32
      %add3A_716 = arith.addi %mul3A_714, %add3A_715 : i32
      %get3A_717 = arith.index_cast %add3A_716 : i32 to index
      %get3A_718 = arith.constant 0 : index
      %get3A_719 = tpu.vector_load %arg4[%get3A_717, %get3A_718] {strides = array<i32>} : memref<512x32xf32, #tpu.memory_space<vmem>>, vector<16xf32>,
      %get3A_720 = arith.index_cast %add3A_716 : i32 to index
      %get3A_721 = arith.constant 16 : index
      %get3A_722 = tpu.vector_load %arg4[%get3A_720, %get3A_721] {strides = array<i32>} : memref<512x32xf32, #tpu.memory_space<vmem>>, vector<16xf32>,
      %add3A_723 = arith.constant 1 : i32
      %add3A_724 = vector.broadcast %add3A_723 : i32 to vector<16xi32>
      %add3A_725 = arith.addi %mul3A_38, %add3A_724 : vector<16xi32>
      tpu.vector_store_idx %arg6[%add3A_725], %get3A_719 : memref<544xf32, #tpu.memory_space<vmem>>[vector<16xi32>], vector<16xf32>,
      %add3A_726 = arith.constant 1 : i32
      %add3A_727 = vector.broadcast %add3A_726 : i32 to vector<16xi32>
      %add3A_728 = arith.addi %mul3A_44, %add3A_727 : vector<16xi32>
      tpu.vector_store_idx %arg6[%add3A_728], %get3A_722 : memref<544xf32, #tpu.memory_space<vmem>>[vector<16xi32>], vector<16xf32>,
      %mul3A_729 = arith.constant 16 : i32
      %mul3A_730 = arith.muli %add3A_696, %mul3A_729 : i32
      %add3A_731 = arith.constant 2 : i32
      %add3A_732 = arith.addi %mul3A_730, %add3A_731 : i32
      %get3A_733 = arith.index_cast %add3A_732 : i32 to index
      %get3A_734 = arith.constant 0 : index
      %get3A_735 = tpu.vector_load %arg4[%get3A_733, %get3A_734] {strides = array<i32>} : memref<512x32xf32, #tpu.memory_space<vmem>>, vector<16xf32>,
      %get3A_736 = arith.index_cast %add3A_732 : i32 to index
      %get3A_737 = arith.constant 16 : index
      %get3A_738 = tpu.vector_load %arg4[%get3A_736, %get3A_737] {strides = array<i32>} : memref<512x32xf32, #tpu.memory_space<vmem>>, vector<16xf32>,
      %add3A_739 = arith.constant 2 : i32
      %add3A_740 = vector.broadcast %add3A_739 : i32 to vector<16xi32>
      %add3A_741 = arith.addi %mul3A_38, %add3A_740 : vector<16xi32>
      tpu.vector_store_idx %arg6[%add3A_741], %get3A_735 : memref<544xf32, #tpu.memory_space<vmem>>[vector<16xi32>], vector<16xf32>,
      %add3A_742 = arith.constant 2 : i32
      %add3A_743 = vector.broadcast %add3A_742 : i32 to vector<16xi32>
      %add3A_744 = arith.addi %mul3A_44, %add3A_743 : vector<16xi32>
      tpu.vector_store_idx %arg6[%add3A_744], %get3A_738 : memref<544xf32, #tpu.memory_space<vmem>>[vector<16xi32>], vector<16xf32>,
      %mul3A_745 = arith.constant 16 : i32
      %mul3A_746 = arith.muli %add3A_696, %mul3A_745 : i32
      %add3A_747 = arith.constant 3 : i32
      %add3A_748 = arith.addi %mul3A_746, %add3A_747 : i32
      %get3A_749 = arith.index_cast %add3A_748 : i32 to index
      %get3A_750 = arith.constant 0 : index
      %get3A_751 = tpu.vector_load %arg4[%get3A_749, %get3A_750] {strides = array<i32>} : memref<512x32xf32, #tpu.memory_space<vmem>>, vector<16xf32>,
      %get3A_752 = arith.index_cast %add3A_748 : i32 to index
      %get3A_753 = arith.constant 16 : index
      %get3A_754 = tpu.vector_load %arg4[%get3A_752, %get3A_753] {strides = array<i32>} : memref<512x32xf32, #tpu.memory_space<vmem>>, vector<16xf32>,
      %add3A_755 = arith.constant 3 : i32
      %add3A_756 = vector.broadcast %add3A_755 : i32 to vector<16xi32>
      %add3A_757 = arith.addi %mul3A_38, %add3A_756 : vector<16xi32>
      tpu.vector_store_idx %arg6[%add3A_757], %get3A_751 : memref<544xf32, #tpu.memory_space<vmem>>[vector<16xi32>], vector<16xf32>,
      %add3A_758 = arith.constant 3 : i32
      %add3A_759 = vector.broadcast %add3A_758 : i32 to vector<16xi32>
      %add3A_760 = arith.addi %mul3A_44, %add3A_759 : vector<16xi32>
      tpu.vector_store_idx %arg6[%add3A_760], %get3A_754 : memref<544xf32, #tpu.memory_space<vmem>>[vector<16xi32>], vector<16xf32>,
      %mul3A_761 = arith.constant 16 : i32
      %mul3A_762 = arith.muli %add3A_696, %mul3A_761 : i32
      %add3A_763 = arith.constant 4 : i32
      %add3A_764 = arith.addi %mul3A_762, %add3A_763 : i32
      %get3A_765 = arith.index_cast %add3A_764 : i32 to index
      %get3A_766 = arith.constant 0 : index
      %get3A_767 = tpu.vector_load %arg4[%get3A_765, %get3A_766] {strides = array<i32>} : memref<512x32xf32, #tpu.memory_space<vmem>>, vector<16xf32>,
      %get3A_768 = arith.index_cast %add3A_764 : i32 to index
      %get3A_769 = arith.constant 16 : index
      %get3A_770 = tpu.vector_load %arg4[%get3A_768, %get3A_769] {strides = array<i32>} : memref<512x32xf32, #tpu.memory_space<vmem>>, vector<16xf32>,
      %add3A_771 = arith.constant 4 : i32
      %add3A_772 = vector.broadcast %add3A_771 : i32 to vector<16xi32>
      %add3A_773 = arith.addi %mul3A_38, %add3A_772 : vector<16xi32>
      tpu.vector_store_idx %arg6[%add3A_773], %get3A_767 : memref<544xf32, #tpu.memory_space<vmem>>[vector<16xi32>], vector<16xf32>,
      %add3A_774 = arith.constant 4 : i32
      %add3A_775 = vector.broadcast %add3A_774 : i32 to vector<16xi32>
      %add3A_776 = arith.addi %mul3A_44, %add3A_775 : vector<16xi32>
      tpu.vector_store_idx %arg6[%add3A_776], %get3A_770 : memref<544xf32, #tpu.memory_space<vmem>>[vector<16xi32>], vector<16xf32>,
      %mul3A_777 = arith.constant 16 : i32
      %mul3A_778 = arith.muli %add3A_696, %mul3A_777 : i32
      %add3A_779 = arith.constant 5 : i32
      %add3A_780 = arith.addi %mul3A_778, %add3A_779 : i32
      %get3A_781 = arith.index_cast %add3A_780 : i32 to index
      %get3A_782 = arith.constant 0 : index
      %get3A_783 = tpu.vector_load %arg4[%get3A_781, %get3A_782] {strides = array<i32>} : memref<512x32xf32, #tpu.memory_space<vmem>>, vector<16xf32>,
      %get3A_784 = arith.index_cast %add3A_780 : i32 to index
      %get3A_785 = arith.constant 16 : index
      %get3A_786 = tpu.vector_load %arg4[%get3A_784, %get3A_785] {strides = array<i32>} : memref<512x32xf32, #tpu.memory_space<vmem>>, vector<16xf32>,
      %add3A_787 = arith.constant 5 : i32
      %add3A_788 = vector.broadcast %add3A_787 : i32 to vector<16xi32>
      %add3A_789 = arith.addi %mul3A_38, %add3A_788 : vector<16xi32>
      tpu.vector_store_idx %arg6[%add3A_789], %get3A_783 : memref<544xf32, #tpu.memory_space<vmem>>[vector<16xi32>], vector<16xf32>,
      %add3A_790 = arith.constant 5 : i32
      %add3A_791 = vector.broadcast %add3A_790 : i32 to vector<16xi32>
      %add3A_792 = arith.addi %mul3A_44, %add3A_791 : vector<16xi32>
      tpu.vector_store_idx %arg6[%add3A_792], %get3A_786 : memref<544xf32, #tpu.memory_space<vmem>>[vector<16xi32>], vector<16xf32>,
      %mul3A_793 = arith.constant 16 : i32
      %mul3A_794 = arith.muli %add3A_696, %mul3A_793 : i32
      %add3A_795 = arith.constant 6 : i32
      %add3A_796 = arith.addi %mul3A_794, %add3A_795 : i32
      %get3A_797 = arith.index_cast %add3A_796 : i32 to index
      %get3A_798 = arith.constant 0 : index
      %get3A_799 = tpu.vector_load %arg4[%get3A_797, %get3A_798] {strides = array<i32>} : memref<512x32xf32, #tpu.memory_space<vmem>>, vector<16xf32>,
      %get3A_800 = arith.index_cast %add3A_796 : i32 to index
      %get3A_801 = arith.constant 16 : index
      %get3A_802 = tpu.vector_load %arg4[%get3A_800, %get3A_801] {strides = array<i32>} : memref<512x32xf32, #tpu.memory_space<vmem>>, vector<16xf32>,
      %add3A_803 = arith.constant 6 : i32
      %add3A_804 = vector.broadcast %add3A_803 : i32 to vector<16xi32>
      %add3A_805 = arith.addi %mul3A_38, %add3A_804 : vector<16xi32>
      tpu.vector_store_idx %arg6[%add3A_805], %get3A_799 : memref<544xf32, #tpu.memory_space<vmem>>[vector<16xi32>], vector<16xf32>,
      %add3A_806 = arith.constant 6 : i32
      %add3A_807 = vector.broadcast %add3A_806 : i32 to vector<16xi32>
      %add3A_808 = arith.addi %mul3A_44, %add3A_807 : vector<16xi32>
      tpu.vector_store_idx %arg6[%add3A_808], %get3A_802 : memref<544xf32, #tpu.memory_space<vmem>>[vector<16xi32>], vector<16xf32>,
      %mul3A_809 = arith.constant 16 : i32
      %mul3A_810 = arith.muli %add3A_696, %mul3A_809 : i32
      %add3A_811 = arith.constant 7 : i32
      %add3A_812 = arith.addi %mul3A_810, %add3A_811 : i32
      %get3A_813 = arith.index_cast %add3A_812 : i32 to index
      %get3A_814 = arith.constant 0 : index
      %get3A_815 = tpu.vector_load %arg4[%get3A_813, %get3A_814] {strides = array<i32>} : memref<512x32xf32, #tpu.memory_space<vmem>>, vector<16xf32>,
      %get3A_816 = arith.index_cast %add3A_812 : i32 to index
      %get3A_817 = arith.constant 16 : index
      %get3A_818 = tpu.vector_load %arg4[%get3A_816, %get3A_817] {strides = array<i32>} : memref<512x32xf32, #tpu.memory_space<vmem>>, vector<16xf32>,
      %add3A_819 = arith.constant 7 : i32
      %add3A_820 = vector.broadcast %add3A_819 : i32 to vector<16xi32>
      %add3A_821 = arith.addi %mul3A_38, %add3A_820 : vector<16xi32>
      tpu.vector_store_idx %arg6[%add3A_821], %get3A_815 : memref<544xf32, #tpu.memory_space<vmem>>[vector<16xi32>], vector<16xf32>,
      %add3A_822 = arith.constant 7 : i32
      %add3A_823 = vector.broadcast %add3A_822 : i32 to vector<16xi32>
      %add3A_824 = arith.addi %mul3A_44, %add3A_823 : vector<16xi32>
      tpu.vector_store_idx %arg6[%add3A_824], %get3A_818 : memref<544xf32, #tpu.memory_space<vmem>>[vector<16xi32>], vector<16xf32>,
      %mul3A_825 = arith.constant 16 : i32
      %mul3A_826 = arith.muli %add3A_696, %mul3A_825 : i32
      %add3A_827 = arith.constant 8 : i32
      %add3A_828 = arith.addi %mul3A_826, %add3A_827 : i32
      %get3A_829 = arith.index_cast %add3A_828 : i32 to index
      %get3A_830 = arith.constant 0 : index
      %get3A_831 = tpu.vector_load %arg4[%get3A_829, %get3A_830] {strides = array<i32>} : memref<512x32xf32, #tpu.memory_space<vmem>>, vector<16xf32>,
      %get3A_832 = arith.index_cast %add3A_828 : i32 to index
      %get3A_833 = arith.constant 16 : index
      %get3A_834 = tpu.vector_load %arg4[%get3A_832, %get3A_833] {strides = array<i32>} : memref<512x32xf32, #tpu.memory_space<vmem>>, vector<16xf32>,
      %add3A_835 = arith.constant 8 : i32
      %add3A_836 = vector.broadcast %add3A_835 : i32 to vector<16xi32>
      %add3A_837 = arith.addi %mul3A_38, %add3A_836 : vector<16xi32>
      tpu.vector_store_idx %arg6[%add3A_837], %get3A_831 : memref<544xf32, #tpu.memory_space<vmem>>[vector<16xi32>], vector<16xf32>,
      %add3A_838 = arith.constant 8 : i32
      %add3A_839 = vector.broadcast %add3A_838 : i32 to vector<16xi32>
      %add3A_840 = arith.addi %mul3A_44, %add3A_839 : vector<16xi32>
      tpu.vector_store_idx %arg6[%add3A_840], %get3A_834 : memref<544xf32, #tpu.memory_space<vmem>>[vector<16xi32>], vector<16xf32>,
      %mul3A_841 = arith.constant 16 : i32
      %mul3A_842 = arith.muli %add3A_696, %mul3A_841 : i32
      %add3A_843 = arith.constant 9 : i32
      %add3A_844 = arith.addi %mul3A_842, %add3A_843 : i32
      %get3A_845 = arith.index_cast %add3A_844 : i32 to index
      %get3A_846 = arith.constant 0 : index
      %get3A_847 = tpu.vector_load %arg4[%get3A_845, %get3A_846] {strides = array<i32>} : memref<512x32xf32, #tpu.memory_space<vmem>>, vector<16xf32>,
      %get3A_848 = arith.index_cast %add3A_844 : i32 to index
      %get3A_849 = arith.constant 16 : index
      %get3A_850 = tpu.vector_load %arg4[%get3A_848, %get3A_849] {strides = array<i32>} : memref<512x32xf32, #tpu.memory_space<vmem>>, vector<16xf32>,
      %add3A_851 = arith.constant 9 : i32
      %add3A_852 = vector.broadcast %add3A_851 : i32 to vector<16xi32>
      %add3A_853 = arith.addi %mul3A_38, %add3A_852 : vector<16xi32>
      tpu.vector_store_idx %arg6[%add3A_853], %get3A_847 : memref<544xf32, #tpu.memory_space<vmem>>[vector<16xi32>], vector<16xf32>,
      %add3A_854 = arith.constant 9 : i32
      %add3A_855 = vector.broadcast %add3A_854 : i32 to vector<16xi32>
      %add3A_856 = arith.addi %mul3A_44, %add3A_855 : vector<16xi32>
      tpu.vector_store_idx %arg6[%add3A_856], %get3A_850 : memref<544xf32, #tpu.memory_space<vmem>>[vector<16xi32>], vector<16xf32>,
      %mul3A_857 = arith.constant 16 : i32
      %mul3A_858 = arith.muli %add3A_696, %mul3A_857 : i32
      %add3A_859 = arith.constant 10 : i32
      %add3A_860 = arith.addi %mul3A_858, %add3A_859 : i32
      %get3A_861 = arith.index_cast %add3A_860 : i32 to index
      %get3A_862 = arith.constant 0 : index
      %get3A_863 = tpu.vector_load %arg4[%get3A_861, %get3A_862] {strides = array<i32>} : memref<512x32xf32, #tpu.memory_space<vmem>>, vector<16xf32>,
      %get3A_864 = arith.index_cast %add3A_860 : i32 to index
      %get3A_865 = arith.constant 16 : index
      %get3A_866 = tpu.vector_load %arg4[%get3A_864, %get3A_865] {strides = array<i32>} : memref<512x32xf32, #tpu.memory_space<vmem>>, vector<16xf32>,
      %add3A_867 = arith.constant 10 : i32
      %add3A_868 = vector.broadcast %add3A_867 : i32 to vector<16xi32>
      %add3A_869 = arith.addi %mul3A_38, %add3A_868 : vector<16xi32>
      tpu.vector_store_idx %arg6[%add3A_869], %get3A_863 : memref<544xf32, #tpu.memory_space<vmem>>[vector<16xi32>], vector<16xf32>,
      %add3A_870 = arith.constant 10 : i32
      %add3A_871 = vector.broadcast %add3A_870 : i32 to vector<16xi32>
      %add3A_872 = arith.addi %mul3A_44, %add3A_871 : vector<16xi32>
      tpu.vector_store_idx %arg6[%add3A_872], %get3A_866 : memref<544xf32, #tpu.memory_space<vmem>>[vector<16xi32>], vector<16xf32>,
      %mul3A_873 = arith.constant 16 : i32
      %mul3A_874 = arith.muli %add3A_696, %mul3A_873 : i32
      %add3A_875 = arith.constant 11 : i32
      %add3A_876 = arith.addi %mul3A_874, %add3A_875 : i32
      %get3A_877 = arith.index_cast %add3A_876 : i32 to index
      %get3A_878 = arith.constant 0 : index
      %get3A_879 = tpu.vector_load %arg4[%get3A_877, %get3A_878] {strides = array<i32>} : memref<512x32xf32, #tpu.memory_space<vmem>>, vector<16xf32>,
      %get3A_880 = arith.index_cast %add3A_876 : i32 to index
      %get3A_881 = arith.constant 16 : index
      %get3A_882 = tpu.vector_load %arg4[%get3A_880, %get3A_881] {strides = array<i32>} : memref<512x32xf32, #tpu.memory_space<vmem>>, vector<16xf32>,
      %add3A_883 = arith.constant 11 : i32
      %add3A_884 = vector.broadcast %add3A_883 : i32 to vector<16xi32>
      %add3A_885 = arith.addi %mul3A_38, %add3A_884 : vector<16xi32>
      tpu.vector_store_idx %arg6[%add3A_885], %get3A_879 : memref<544xf32, #tpu.memory_space<vmem>>[vector<16xi32>], vector<16xf32>,
      %add3A_886 = arith.constant 11 : i32
      %add3A_887 = vector.broadcast %add3A_886 : i32 to vector<16xi32>
      %add3A_888 = arith.addi %mul3A_44, %add3A_887 : vector<16xi32>
      tpu.vector_store_idx %arg6[%add3A_888], %get3A_882 : memref<544xf32, #tpu.memory_space<vmem>>[vector<16xi32>], vector<16xf32>,
      %mul3A_889 = arith.constant 16 : i32
      %mul3A_890 = arith.muli %add3A_696, %mul3A_889 : i32
      %add3A_891 = arith.constant 12 : i32
      %add3A_892 = arith.addi %mul3A_890, %add3A_891 : i32
      %get3A_893 = arith.index_cast %add3A_892 : i32 to index
      %get3A_894 = arith.constant 0 : index
      %get3A_895 = tpu.vector_load %arg4[%get3A_893, %get3A_894] {strides = array<i32>} : memref<512x32xf32, #tpu.memory_space<vmem>>, vector<16xf32>,
      %get3A_896 = arith.index_cast %add3A_892 : i32 to index
      %get3A_897 = arith.constant 16 : index
      %get3A_898 = tpu.vector_load %arg4[%get3A_896, %get3A_897] {strides = array<i32>} : memref<512x32xf32, #tpu.memory_space<vmem>>, vector<16xf32>,
      %add3A_899 = arith.constant 12 : i32
      %add3A_900 = vector.broadcast %add3A_899 : i32 to vector<16xi32>
      %add3A_901 = arith.addi %mul3A_38, %add3A_900 : vector<16xi32>
      tpu.vector_store_idx %arg6[%add3A_901], %get3A_895 : memref<544xf32, #tpu.memory_space<vmem>>[vector<16xi32>], vector<16xf32>,
      %add3A_902 = arith.constant 12 : i32
      %add3A_903 = vector.broadcast %add3A_902 : i32 to vector<16xi32>
      %add3A_904 = arith.addi %mul3A_44, %add3A_903 : vector<16xi32>
      tpu.vector_store_idx %arg6[%add3A_904], %get3A_898 : memref<544xf32, #tpu.memory_space<vmem>>[vector<16xi32>], vector<16xf32>,
      %mul3A_905 = arith.constant 16 : i32
      %mul3A_906 = arith.muli %add3A_696, %mul3A_905 : i32
      %add3A_907 = arith.constant 13 : i32
      %add3A_908 = arith.addi %mul3A_906, %add3A_907 : i32
      %get3A_909 = arith.index_cast %add3A_908 : i32 to index
      %get3A_910 = arith.constant 0 : index
      %get3A_911 = tpu.vector_load %arg4[%get3A_909, %get3A_910] {strides = array<i32>} : memref<512x32xf32, #tpu.memory_space<vmem>>, vector<16xf32>,
      %get3A_912 = arith.index_cast %add3A_908 : i32 to index
      %get3A_913 = arith.constant 16 : index
      %get3A_914 = tpu.vector_load %arg4[%get3A_912, %get3A_913] {strides = array<i32>} : memref<512x32xf32, #tpu.memory_space<vmem>>, vector<16xf32>,
      %add3A_915 = arith.constant 13 : i32
      %add3A_916 = vector.broadcast %add3A_915 : i32 to vector<16xi32>
      %add3A_917 = arith.addi %mul3A_38, %add3A_916 : vector<16xi32>
      tpu.vector_store_idx %arg6[%add3A_917], %get3A_911 : memref<544xf32, #tpu.memory_space<vmem>>[vector<16xi32>], vector<16xf32>,
      %add3A_918 = arith.constant 13 : i32
      %add3A_919 = vector.broadcast %add3A_918 : i32 to vector<16xi32>
      %add3A_920 = arith.addi %mul3A_44, %add3A_919 : vector<16xi32>
      tpu.vector_store_idx %arg6[%add3A_920], %get3A_914 : memref<544xf32, #tpu.memory_space<vmem>>[vector<16xi32>], vector<16xf32>,
      %mul3A_921 = arith.constant 16 : i32
      %mul3A_922 = arith.muli %add3A_696, %mul3A_921 : i32
      %add3A_923 = arith.constant 14 : i32
      %add3A_924 = arith.addi %mul3A_922, %add3A_923 : i32
      %get3A_925 = arith.index_cast %add3A_924 : i32 to index
      %get3A_926 = arith.constant 0 : index
      %get3A_927 = tpu.vector_load %arg4[%get3A_925, %get3A_926] {strides = array<i32>} : memref<512x32xf32, #tpu.memory_space<vmem>>, vector<16xf32>,
      %get3A_928 = arith.index_cast %add3A_924 : i32 to index
      %get3A_929 = arith.constant 16 : index
      %get3A_930 = tpu.vector_load %arg4[%get3A_928, %get3A_929] {strides = array<i32>} : memref<512x32xf32, #tpu.memory_space<vmem>>, vector<16xf32>,
      %add3A_931 = arith.constant 14 : i32
      %add3A_932 = vector.broadcast %add3A_931 : i32 to vector<16xi32>
      %add3A_933 = arith.addi %mul3A_38, %add3A_932 : vector<16xi32>
      tpu.vector_store_idx %arg6[%add3A_933], %get3A_927 : memref<544xf32, #tpu.memory_space<vmem>>[vector<16xi32>], vector<16xf32>,
      %add3A_934 = arith.constant 14 : i32
      %add3A_935 = vector.broadcast %add3A_934 : i32 to vector<16xi32>
      %add3A_936 = arith.addi %mul3A_44, %add3A_935 : vector<16xi32>
      tpu.vector_store_idx %arg6[%add3A_936], %get3A_930 : memref<544xf32, #tpu.memory_space<vmem>>[vector<16xi32>], vector<16xf32>,
      %mul3A_937 = arith.constant 16 : i32
      %mul3A_938 = arith.muli %add3A_696, %mul3A_937 : i32
      %add3A_939 = arith.constant 15 : i32
      %add3A_940 = arith.addi %mul3A_938, %add3A_939 : i32
      %get3A_941 = arith.index_cast %add3A_940 : i32 to index
      %get3A_942 = arith.constant 0 : index
      %get3A_943 = tpu.vector_load %arg4[%get3A_941, %get3A_942] {strides = array<i32>} : memref<512x32xf32, #tpu.memory_space<vmem>>, vector<16xf32>,
      %get3A_944 = arith.index_cast %add3A_940 : i32 to index
      %get3A_945 = arith.constant 16 : index
      %get3A_946 = tpu.vector_load %arg4[%get3A_944, %get3A_945] {strides = array<i32>} : memref<512x32xf32, #tpu.memory_space<vmem>>, vector<16xf32>,
      %add3A_947 = arith.constant 15 : i32
      %add3A_948 = vector.broadcast %add3A_947 : i32 to vector<16xi32>
      %add3A_949 = arith.addi %mul3A_38, %add3A_948 : vector<16xi32>
      tpu.vector_store_idx %arg6[%add3A_949], %get3A_943 : memref<544xf32, #tpu.memory_space<vmem>>[vector<16xi32>], vector<16xf32>,
      %add3A_950 = arith.constant 15 : i32
      %add3A_951 = vector.broadcast %add3A_950 : i32 to vector<16xi32>
      %add3A_952 = arith.addi %mul3A_44, %add3A_951 : vector<16xi32>
      tpu.vector_store_idx %arg6[%add3A_952], %get3A_946 : memref<544xf32, #tpu.memory_space<vmem>>[vector<16xi32>], vector<16xf32>,
      %get3A_953 = arith.constant 0 : index
      %get3A_954 = tpu.vector_load %arg6[%get3A_953] {strides = array<i32>} : memref<544xf32, #tpu.memory_space<vmem>>, vector<16xf32>,
      %get3A_955 = arith.constant 17 : index
      %get3A_956 = tpu.vector_load %arg6[%get3A_955] {strides = array<i32>} : memref<544xf32, #tpu.memory_space<vmem>>, vector<16xf32>,
      %get3A_957 = arith.constant 34 : index
      %get3A_958 = tpu.vector_load %arg6[%get3A_957] {strides = array<i32>} : memref<544xf32, #tpu.memory_space<vmem>>, vector<16xf32>,
      %get3A_959 = arith.constant 51 : index
      %get3A_960 = tpu.vector_load %arg6[%get3A_959] {strides = array<i32>} : memref<544xf32, #tpu.memory_space<vmem>>, vector<16xf32>,
      %get3A_961 = arith.constant 68 : index
      %get3A_962 = tpu.vector_load %arg6[%get3A_961] {strides = array<i32>} : memref<544xf32, #tpu.memory_space<vmem>>, vector<16xf32>,
      %get3A_963 = arith.constant 85 : index
      %get3A_964 = tpu.vector_load %arg6[%get3A_963] {strides = array<i32>} : memref<544xf32, #tpu.memory_space<vmem>>, vector<16xf32>,
      %get3A_965 = arith.constant 102 : index
      %get3A_966 = tpu.vector_load %arg6[%get3A_965] {strides = array<i32>} : memref<544xf32, #tpu.memory_space<vmem>>, vector<16xf32>,
      %get3A_967 = arith.constant 119 : index
      %get3A_968 = tpu.vector_load %arg6[%get3A_967] {strides = array<i32>} : memref<544xf32, #tpu.memory_space<vmem>>, vector<16xf32>,
      %get3A_969 = arith.constant 136 : index
      %get3A_970 = tpu.vector_load %arg6[%get3A_969] {strides = array<i32>} : memref<544xf32, #tpu.memory_space<vmem>>, vector<16xf32>,
      %get3A_971 = arith.constant 153 : index
      %get3A_972 = tpu.vector_load %arg6[%get3A_971] {strides = array<i32>} : memref<544xf32, #tpu.memory_space<vmem>>, vector<16xf32>,
      %get3A_973 = arith.constant 170 : index
      %get3A_974 = tpu.vector_load %arg6[%get3A_973] {strides = array<i32>} : memref<544xf32, #tpu.memory_space<vmem>>, vector<16xf32>,
      %get3A_975 = arith.constant 187 : index
      %get3A_976 = tpu.vector_load %arg6[%get3A_975] {strides = array<i32>} : memref<544xf32, #tpu.memory_space<vmem>>, vector<16xf32>,
      %get3A_977 = arith.constant 204 : index
      %get3A_978 = tpu.vector_load %arg6[%get3A_977] {strides = array<i32>} : memref<544xf32, #tpu.memory_space<vmem>>, vector<16xf32>,
      %get3A_979 = arith.constant 221 : index
      %get3A_980 = tpu.vector_load %arg6[%get3A_979] {strides = array<i32>} : memref<544xf32, #tpu.memory_space<vmem>>, vector<16xf32>,
      %get3A_981 = arith.constant 238 : index
      %get3A_982 = tpu.vector_load %arg6[%get3A_981] {strides = array<i32>} : memref<544xf32, #tpu.memory_space<vmem>>, vector<16xf32>,
      %get3A_983 = arith.constant 255 : index
      %get3A_984 = tpu.vector_load %arg6[%get3A_983] {strides = array<i32>} : memref<544xf32, #tpu.memory_space<vmem>>, vector<16xf32>,
      %get3A_985 = arith.constant 272 : index
      %get3A_986 = tpu.vector_load %arg6[%get3A_985] {strides = array<i32>} : memref<544xf32, #tpu.memory_space<vmem>>, vector<16xf32>,
      %get3A_987 = arith.constant 289 : index
      %get3A_988 = tpu.vector_load %arg6[%get3A_987] {strides = array<i32>} : memref<544xf32, #tpu.memory_space<vmem>>, vector<16xf32>,
      %get3A_989 = arith.constant 306 : index
      %get3A_990 = tpu.vector_load %arg6[%get3A_989] {strides = array<i32>} : memref<544xf32, #tpu.memory_space<vmem>>, vector<16xf32>,
      %get3A_991 = arith.constant 323 : index
      %get3A_992 = tpu.vector_load %arg6[%get3A_991] {strides = array<i32>} : memref<544xf32, #tpu.memory_space<vmem>>, vector<16xf32>,
      %get3A_993 = arith.constant 340 : index
      %get3A_994 = tpu.vector_load %arg6[%get3A_993] {strides = array<i32>} : memref<544xf32, #tpu.memory_space<vmem>>, vector<16xf32>,
      %get3A_995 = arith.constant 357 : index
      %get3A_996 = tpu.vector_load %arg6[%get3A_995] {strides = array<i32>} : memref<544xf32, #tpu.memory_space<vmem>>, vector<16xf32>,
      %get3A_997 = arith.constant 374 : index
      %get3A_998 = tpu.vector_load %arg6[%get3A_997] {strides = array<i32>} : memref<544xf32, #tpu.memory_space<vmem>>, vector<16xf32>,
      %get3A_999 = arith.constant 391 : index
      %get3A_1000 = tpu.vector_load %arg6[%get3A_999] {strides = array<i32>} : memref<544xf32, #tpu.memory_space<vmem>>, vector<16xf32>,
      %get3A_1001 = arith.constant 408 : index
      %get3A_1002 = tpu.vector_load %arg6[%get3A_1001] {strides = array<i32>} : memref<544xf32, #tpu.memory_space<vmem>>, vector<16xf32>,
      %get3A_1003 = arith.constant 425 : index
      %get3A_1004 = tpu.vector_load %arg6[%get3A_1003] {strides = array<i32>} : memref<544xf32, #tpu.memory_space<vmem>>, vector<16xf32>,
      %get3A_1005 = arith.constant 442 : index
      %get3A_1006 = tpu.vector_load %arg6[%get3A_1005] {strides = array<i32>} : memref<544xf32, #tpu.memory_space<vmem>>, vector<16xf32>,
      %get3A_1007 = arith.constant 459 : index
      %get3A_1008 = tpu.vector_load %arg6[%get3A_1007] {strides = array<i32>} : memref<544xf32, #tpu.memory_space<vmem>>, vector<16xf32>,
      %get3A_1009 = arith.constant 476 : index
      %get3A_1010 = tpu.vector_load %arg6[%get3A_1009] {strides = array<i32>} : memref<544xf32, #tpu.memory_space<vmem>>, vector<16xf32>,
      %get3A_1011 = arith.constant 493 : index
      %get3A_1012 = tpu.vector_load %arg6[%get3A_1011] {strides = array<i32>} : memref<544xf32, #tpu.memory_space<vmem>>, vector<16xf32>,
      %get3A_1013 = arith.constant 510 : index
      %get3A_1014 = tpu.vector_load %arg6[%get3A_1013] {strides = array<i32>} : memref<544xf32, #tpu.memory_space<vmem>>, vector<16xf32>,
      %get3A_1015 = arith.constant 527 : index
      %get3A_1016 = tpu.vector_load %arg6[%get3A_1015] {strides = array<i32>} : memref<544xf32, #tpu.memory_space<vmem>>, vector<16xf32>,
      %max3A_1017 = arith.maximumf %get3A_954, %get3A_956 : vector<16xf32>
      %min3A_1018 = arith.minimumf %get3A_954, %get3A_956 : vector<16xf32>
      %max3A_1019 = arith.maximumf %get3A_958, %get3A_960 : vector<16xf32>
      %min3A_1020 = arith.minimumf %get3A_958, %get3A_960 : vector<16xf32>
      %max3A_1021 = arith.maximumf %get3A_962, %get3A_964 : vector<16xf32>
      %min3A_1022 = arith.minimumf %get3A_962, %get3A_964 : vector<16xf32>
      %max3A_1023 = arith.maximumf %get3A_966, %get3A_968 : vector<16xf32>
      %min3A_1024 = arith.minimumf %get3A_966, %get3A_968 : vector<16xf32>
      %max3A_1025 = arith.maximumf %get3A_970, %get3A_972 : vector<16xf32>
      %min3A_1026 = arith.minimumf %get3A_970, %get3A_972 : vector<16xf32>
      %max3A_1027 = arith.maximumf %get3A_974, %get3A_976 : vector<16xf32>
      %min3A_1028 = arith.minimumf %get3A_974, %get3A_976 : vector<16xf32>
      %max3A_1029 = arith.maximumf %get3A_978, %get3A_980 : vector<16xf32>
      %min3A_1030 = arith.minimumf %get3A_978, %get3A_980 : vector<16xf32>
      %max3A_1031 = arith.maximumf %get3A_982, %get3A_984 : vector<16xf32>
      %min3A_1032 = arith.minimumf %get3A_982, %get3A_984 : vector<16xf32>
      %max3A_1033 = arith.maximumf %get3A_986, %get3A_988 : vector<16xf32>
      %min3A_1034 = arith.minimumf %get3A_986, %get3A_988 : vector<16xf32>
      %max3A_1035 = arith.maximumf %get3A_990, %get3A_992 : vector<16xf32>
      %min3A_1036 = arith.minimumf %get3A_990, %get3A_992 : vector<16xf32>
      %max3A_1037 = arith.maximumf %get3A_994, %get3A_996 : vector<16xf32>
      %min3A_1038 = arith.minimumf %get3A_994, %get3A_996 : vector<16xf32>
      %max3A_1039 = arith.maximumf %get3A_998, %get3A_1000 : vector<16xf32>
      %min3A_1040 = arith.minimumf %get3A_998, %get3A_1000 : vector<16xf32>
      %max3A_1041 = arith.maximumf %get3A_1002, %get3A_1004 : vector<16xf32>
      %min3A_1042 = arith.minimumf %get3A_1002, %get3A_1004 : vector<16xf32>
      %max3A_1043 = arith.maximumf %get3A_1006, %get3A_1008 : vector<16xf32>
      %min3A_1044 = arith.minimumf %get3A_1006, %get3A_1008 : vector<16xf32>
      %max3A_1045 = arith.maximumf %get3A_1010, %get3A_1012 : vector<16xf32>
      %min3A_1046 = arith.minimumf %get3A_1010, %get3A_1012 : vector<16xf32>
      %max3A_1047 = arith.maximumf %get3A_1014, %get3A_1016 : vector<16xf32>
      %min3A_1048 = arith.minimumf %get3A_1014, %get3A_1016 : vector<16xf32>
      %max3A_1049 = arith.maximumf %max3A_1017, %max3A_1019 : vector<16xf32>
      %min3A_1050 = arith.minimumf %max3A_1017, %max3A_1019 : vector<16xf32>
      %max3A_1051 = arith.maximumf %min3A_1018, %min3A_1020 : vector<16xf32>
      %min3A_1052 = arith.minimumf %min3A_1018, %min3A_1020 : vector<16xf32>
      %max3A_1053 = arith.maximumf %min3A_1050, %max3A_1051 : vector<16xf32>
      %min3A_1054 = arith.minimumf %min3A_1050, %max3A_1051 : vector<16xf32>
      %max3A_1055 = arith.maximumf %max3A_1021, %max3A_1023 : vector<16xf32>
      %min3A_1056 = arith.minimumf %max3A_1021, %max3A_1023 : vector<16xf32>
      %max3A_1057 = arith.maximumf %min3A_1022, %min3A_1024 : vector<16xf32>
      %min3A_1058 = arith.minimumf %min3A_1022, %min3A_1024 : vector<16xf32>
      %max3A_1059 = arith.maximumf %min3A_1056, %max3A_1057 : vector<16xf32>
      %min3A_1060 = arith.minimumf %min3A_1056, %max3A_1057 : vector<16xf32>
      %max3A_1061 = arith.maximumf %max3A_1025, %max3A_1027 : vector<16xf32>
      %min3A_1062 = arith.minimumf %max3A_1025, %max3A_1027 : vector<16xf32>
      %max3A_1063 = arith.maximumf %min3A_1026, %min3A_1028 : vector<16xf32>
      %min3A_1064 = arith.minimumf %min3A_1026, %min3A_1028 : vector<16xf32>
      %max3A_1065 = arith.maximumf %min3A_1062, %max3A_1063 : vector<16xf32>
      %min3A_1066 = arith.minimumf %min3A_1062, %max3A_1063 : vector<16xf32>
      %max3A_1067 = arith.maximumf %max3A_1029, %max3A_1031 : vector<16xf32>
      %min3A_1068 = arith.minimumf %max3A_1029, %max3A_1031 : vector<16xf32>
      %max3A_1069 = arith.maximumf %min3A_1030, %min3A_1032 : vector<16xf32>
      %min3A_1070 = arith.minimumf %min3A_1030, %min3A_1032 : vector<16xf32>
      %max3A_1071 = arith.maximumf %min3A_1068, %max3A_1069 : vector<16xf32>
      %min3A_1072 = arith.minimumf %min3A_1068, %max3A_1069 : vector<16xf32>
      %max3A_1073 = arith.maximumf %max3A_1033, %max3A_1035 : vector<16xf32>
      %min3A_1074 = arith.minimumf %max3A_1033, %max3A_1035 : vector<16xf32>
      %max3A_1075 = arith.maximumf %min3A_1034, %min3A_1036 : vector<16xf32>
      %min3A_1076 = arith.minimumf %min3A_1034, %min3A_1036 : vector<16xf32>
      %max3A_1077 = arith.maximumf %min3A_1074, %max3A_1075 : vector<16xf32>
      %min3A_1078 = arith.minimumf %min3A_1074, %max3A_1075 : vector<16xf32>
      %max3A_1079 = arith.maximumf %max3A_1037, %max3A_1039 : vector<16xf32>
      %min3A_1080 = arith.minimumf %max3A_1037, %max3A_1039 : vector<16xf32>
      %max3A_1081 = arith.maximumf %min3A_1038, %min3A_1040 : vector<16xf32>
      %min3A_1082 = arith.minimumf %min3A_1038, %min3A_1040 : vector<16xf32>
      %max3A_1083 = arith.maximumf %min3A_1080, %max3A_1081 : vector<16xf32>
      %min3A_1084 = arith.minimumf %min3A_1080, %max3A_1081 : vector<16xf32>
      %max3A_1085 = arith.maximumf %max3A_1041, %max3A_1043 : vector<16xf32>
      %min3A_1086 = arith.minimumf %max3A_1041, %max3A_1043 : vector<16xf32>
      %max3A_1087 = arith.maximumf %min3A_1042, %min3A_1044 : vector<16xf32>
      %min3A_1088 = arith.minimumf %min3A_1042, %min3A_1044 : vector<16xf32>
      %max3A_1089 = arith.maximumf %min3A_1086, %max3A_1087 : vector<16xf32>
      %min3A_1090 = arith.minimumf %min3A_1086, %max3A_1087 : vector<16xf32>
      %max3A_1091 = arith.maximumf %max3A_1045, %max3A_1047 : vector<16xf32>
      %min3A_1092 = arith.minimumf %max3A_1045, %max3A_1047 : vector<16xf32>
      %max3A_1093 = arith.maximumf %min3A_1046, %min3A_1048 : vector<16xf32>
      %min3A_1094 = arith.minimumf %min3A_1046, %min3A_1048 : vector<16xf32>
      %max3A_1095 = arith.maximumf %min3A_1092, %max3A_1093 : vector<16xf32>
      %min3A_1096 = arith.minimumf %min3A_1092, %max3A_1093 : vector<16xf32>
      %max3A_1097 = arith.maximumf %max3A_1049, %min3A_1058 : vector<16xf32>
      %max3A_1098 = arith.maximumf %max3A_1053, %min3A_1060 : vector<16xf32>
      %max3A_1099 = arith.maximumf %min3A_1054, %max3A_1059 : vector<16xf32>
      %max3A_1100 = arith.maximumf %min3A_1052, %max3A_1055 : vector<16xf32>
      %max3A_1101 = arith.maximumf %max3A_1097, %max3A_1099 : vector<16xf32>
      %min3A_1102 = arith.minimumf %max3A_1097, %max3A_1099 : vector<16xf32>
      %max3A_1103 = arith.maximumf %max3A_1098, %max3A_1100 : vector<16xf32>
      %min3A_1104 = arith.minimumf %max3A_1098, %max3A_1100 : vector<16xf32>
      %max3A_1105 = arith.maximumf %max3A_1101, %max3A_1103 : vector<16xf32>
      %min3A_1106 = arith.minimumf %max3A_1101, %max3A_1103 : vector<16xf32>
      %max3A_1107 = arith.maximumf %min3A_1102, %min3A_1104 : vector<16xf32>
      %min3A_1108 = arith.minimumf %min3A_1102, %min3A_1104 : vector<16xf32>
      %max3A_1109 = arith.maximumf %max3A_1061, %min3A_1070 : vector<16xf32>
      %max3A_1110 = arith.maximumf %max3A_1065, %min3A_1072 : vector<16xf32>
      %max3A_1111 = arith.maximumf %min3A_1066, %max3A_1071 : vector<16xf32>
      %max3A_1112 = arith.maximumf %min3A_1064, %max3A_1067 : vector<16xf32>
      %max3A_1113 = arith.maximumf %max3A_1109, %max3A_1111 : vector<16xf32>
      %min3A_1114 = arith.minimumf %max3A_1109, %max3A_1111 : vector<16xf32>
      %max3A_1115 = arith.maximumf %max3A_1110, %max3A_1112 : vector<16xf32>
      %min3A_1116 = arith.minimumf %max3A_1110, %max3A_1112 : vector<16xf32>
      %max3A_1117 = arith.maximumf %max3A_1113, %max3A_1115 : vector<16xf32>
      %min3A_1118 = arith.minimumf %max3A_1113, %max3A_1115 : vector<16xf32>
      %max3A_1119 = arith.maximumf %min3A_1114, %min3A_1116 : vector<16xf32>
      %min3A_1120 = arith.minimumf %min3A_1114, %min3A_1116 : vector<16xf32>
      %max3A_1121 = arith.maximumf %max3A_1073, %min3A_1082 : vector<16xf32>
      %max3A_1122 = arith.maximumf %max3A_1077, %min3A_1084 : vector<16xf32>
      %max3A_1123 = arith.maximumf %min3A_1078, %max3A_1083 : vector<16xf32>
      %max3A_1124 = arith.maximumf %min3A_1076, %max3A_1079 : vector<16xf32>
      %max3A_1125 = arith.maximumf %max3A_1121, %max3A_1123 : vector<16xf32>
      %min3A_1126 = arith.minimumf %max3A_1121, %max3A_1123 : vector<16xf32>
      %max3A_1127 = arith.maximumf %max3A_1122, %max3A_1124 : vector<16xf32>
      %min3A_1128 = arith.minimumf %max3A_1122, %max3A_1124 : vector<16xf32>
      %max3A_1129 = arith.maximumf %max3A_1125, %max3A_1127 : vector<16xf32>
      %min3A_1130 = arith.minimumf %max3A_1125, %max3A_1127 : vector<16xf32>
      %max3A_1131 = arith.maximumf %min3A_1126, %min3A_1128 : vector<16xf32>
      %min3A_1132 = arith.minimumf %min3A_1126, %min3A_1128 : vector<16xf32>
      %max3A_1133 = arith.maximumf %max3A_1085, %min3A_1094 : vector<16xf32>
      %max3A_1134 = arith.maximumf %max3A_1089, %min3A_1096 : vector<16xf32>
      %max3A_1135 = arith.maximumf %min3A_1090, %max3A_1095 : vector<16xf32>
      %max3A_1136 = arith.maximumf %min3A_1088, %max3A_1091 : vector<16xf32>
      %max3A_1137 = arith.maximumf %max3A_1133, %max3A_1135 : vector<16xf32>
      %min3A_1138 = arith.minimumf %max3A_1133, %max3A_1135 : vector<16xf32>
      %max3A_1139 = arith.maximumf %max3A_1134, %max3A_1136 : vector<16xf32>
      %min3A_1140 = arith.minimumf %max3A_1134, %max3A_1136 : vector<16xf32>
      %max3A_1141 = arith.maximumf %max3A_1137, %max3A_1139 : vector<16xf32>
      %min3A_1142 = arith.minimumf %max3A_1137, %max3A_1139 : vector<16xf32>
      %max3A_1143 = arith.maximumf %min3A_1138, %min3A_1140 : vector<16xf32>
      %min3A_1144 = arith.minimumf %min3A_1138, %min3A_1140 : vector<16xf32>
      %max3A_1145 = arith.maximumf %max3A_1105, %min3A_1120 : vector<16xf32>
      %max3A_1146 = arith.maximumf %min3A_1106, %max3A_1119 : vector<16xf32>
      %max3A_1147 = arith.maximumf %max3A_1107, %min3A_1118 : vector<16xf32>
      %max3A_1148 = arith.maximumf %min3A_1108, %max3A_1117 : vector<16xf32>
      %max3A_1149 = arith.maximumf %max3A_1145, %max3A_1147 : vector<16xf32>
      %min3A_1150 = arith.minimumf %max3A_1145, %max3A_1147 : vector<16xf32>
      %max3A_1151 = arith.maximumf %max3A_1146, %max3A_1148 : vector<16xf32>
      %min3A_1152 = arith.minimumf %max3A_1146, %max3A_1148 : vector<16xf32>
      %max3A_1153 = arith.maximumf %max3A_1149, %max3A_1151 : vector<16xf32>
      %min3A_1154 = arith.minimumf %max3A_1149, %max3A_1151 : vector<16xf32>
      %max3A_1155 = arith.maximumf %min3A_1150, %min3A_1152 : vector<16xf32>
      %min3A_1156 = arith.minimumf %min3A_1150, %min3A_1152 : vector<16xf32>
      %max3A_1157 = arith.maximumf %max3A_1129, %min3A_1144 : vector<16xf32>
      %max3A_1158 = arith.maximumf %min3A_1130, %max3A_1143 : vector<16xf32>
      %max3A_1159 = arith.maximumf %max3A_1131, %min3A_1142 : vector<16xf32>
      %max3A_1160 = arith.maximumf %min3A_1132, %max3A_1141 : vector<16xf32>
      %max3A_1161 = arith.maximumf %max3A_1157, %max3A_1159 : vector<16xf32>
      %min3A_1162 = arith.minimumf %max3A_1157, %max3A_1159 : vector<16xf32>
      %max3A_1163 = arith.maximumf %max3A_1158, %max3A_1160 : vector<16xf32>
      %min3A_1164 = arith.minimumf %max3A_1158, %max3A_1160 : vector<16xf32>
      %max3A_1165 = arith.maximumf %max3A_1161, %max3A_1163 : vector<16xf32>
      %min3A_1166 = arith.minimumf %max3A_1161, %max3A_1163 : vector<16xf32>
      %max3A_1167 = arith.maximumf %min3A_1162, %min3A_1164 : vector<16xf32>
      %min3A_1168 = arith.minimumf %min3A_1162, %min3A_1164 : vector<16xf32>
      %max3A_1169 = arith.maximumf %max3A_1153, %min3A_1168 : vector<16xf32>
      %max3A_1170 = arith.maximumf %min3A_1154, %max3A_1167 : vector<16xf32>
      %max3A_1171 = arith.maximumf %max3A_1155, %min3A_1166 : vector<16xf32>
      %max3A_1172 = arith.maximumf %min3A_1156, %max3A_1165 : vector<16xf32>
      %min3A_1173 = arith.minimumf %max3A_1169, %max3A_1170 : vector<16xf32>
      %min3A_1174 = arith.minimumf %max3A_1171, %max3A_1172 : vector<16xf32>
      %min3A_1175 = arith.minimumf %min3A_1173, %min3A_1174 : vector<16xf32>
      %get3A_1176 = arith.constant 0 : index
      %get3A_1177 = tpu.vector_load %arg6[%get3A_1176] {strides = array<i32>} : memref<544xf32, #tpu.memory_space<vmem>>, vector<16xf32>,
      %ge3A_1178 = arith.cmpf oge, %get3A_1177, %min3A_1175 : vector<16xf32>
      %select_n3A_1179 = arith.select %ge3A_1178, %broadcast_in_dim3A_33, %broadcast_in_dim3A_35 : vector<16xi1>, vector<16xi32>
      %add3A_1180 = arith.addi %broadcast_in_dim3A_35, %select_n3A_1179 : vector<16xi32>
      %get3A_1181 = arith.constant 17 : index
      %get3A_1182 = tpu.vector_load %arg6[%get3A_1181] {strides = array<i32>} : memref<544xf32, #tpu.memory_space<vmem>>, vector<16xf32>,
      %ge3A_1183 = arith.cmpf oge, %get3A_1182, %min3A_1175 : vector<16xf32>
      %select_n3A_1184 = arith.select %ge3A_1183, %broadcast_in_dim3A_33, %broadcast_in_dim3A_35 : vector<16xi1>, vector<16xi32>
      %add3A_1185 = arith.addi %add3A_1180, %select_n3A_1184 : vector<16xi32>
      %get3A_1186 = arith.constant 34 : index
      %get3A_1187 = tpu.vector_load %arg6[%get3A_1186] {strides = array<i32>} : memref<544xf32, #tpu.memory_space<vmem>>, vector<16xf32>,
      %ge3A_1188 = arith.cmpf oge, %get3A_1187, %min3A_1175 : vector<16xf32>
      %select_n3A_1189 = arith.select %ge3A_1188, %broadcast_in_dim3A_33, %broadcast_in_dim3A_35 : vector<16xi1>, vector<16xi32>
      %add3A_1190 = arith.addi %add3A_1185, %select_n3A_1189 : vector<16xi32>
      %get3A_1191 = arith.constant 51 : index
      %get3A_1192 = tpu.vector_load %arg6[%get3A_1191] {strides = array<i32>} : memref<544xf32, #tpu.memory_space<vmem>>, vector<16xf32>,
      %ge3A_1193 = arith.cmpf oge, %get3A_1192, %min3A_1175 : vector<16xf32>
      %select_n3A_1194 = arith.select %ge3A_1193, %broadcast_in_dim3A_33, %broadcast_in_dim3A_35 : vector<16xi1>, vector<16xi32>
      %add3A_1195 = arith.addi %add3A_1190, %select_n3A_1194 : vector<16xi32>
      %get3A_1196 = arith.constant 68 : index
      %get3A_1197 = tpu.vector_load %arg6[%get3A_1196] {strides = array<i32>} : memref<544xf32, #tpu.memory_space<vmem>>, vector<16xf32>,
      %ge3A_1198 = arith.cmpf oge, %get3A_1197, %min3A_1175 : vector<16xf32>
      %select_n3A_1199 = arith.select %ge3A_1198, %broadcast_in_dim3A_33, %broadcast_in_dim3A_35 : vector<16xi1>, vector<16xi32>
      %add3A_1200 = arith.addi %add3A_1195, %select_n3A_1199 : vector<16xi32>
      %get3A_1201 = arith.constant 85 : index
      %get3A_1202 = tpu.vector_load %arg6[%get3A_1201] {strides = array<i32>} : memref<544xf32, #tpu.memory_space<vmem>>, vector<16xf32>,
      %ge3A_1203 = arith.cmpf oge, %get3A_1202, %min3A_1175 : vector<16xf32>
      %select_n3A_1204 = arith.select %ge3A_1203, %broadcast_in_dim3A_33, %broadcast_in_dim3A_35 : vector<16xi1>, vector<16xi32>
      %add3A_1205 = arith.addi %add3A_1200, %select_n3A_1204 : vector<16xi32>
      %get3A_1206 = arith.constant 102 : index
      %get3A_1207 = tpu.vector_load %arg6[%get3A_1206] {strides = array<i32>} : memref<544xf32, #tpu.memory_space<vmem>>, vector<16xf32>,
      %ge3A_1208 = arith.cmpf oge, %get3A_1207, %min3A_1175 : vector<16xf32>
      %select_n3A_1209 = arith.select %ge3A_1208, %broadcast_in_dim3A_33, %broadcast_in_dim3A_35 : vector<16xi1>, vector<16xi32>
      %add3A_1210 = arith.addi %add3A_1205, %select_n3A_1209 : vector<16xi32>
      %get3A_1211 = arith.constant 119 : index
      %get3A_1212 = tpu.vector_load %arg6[%get3A_1211] {strides = array<i32>} : memref<544xf32, #tpu.memory_space<vmem>>, vector<16xf32>,
      %ge3A_1213 = arith.cmpf oge, %get3A_1212, %min3A_1175 : vector<16xf32>
      %select_n3A_1214 = arith.select %ge3A_1213, %broadcast_in_dim3A_33, %broadcast_in_dim3A_35 : vector<16xi1>, vector<16xi32>
      %add3A_1215 = arith.addi %add3A_1210, %select_n3A_1214 : vector<16xi32>
      %get3A_1216 = arith.constant 136 : index
      %get3A_1217 = tpu.vector_load %arg6[%get3A_1216] {strides = array<i32>} : memref<544xf32, #tpu.memory_space<vmem>>, vector<16xf32>,
      %ge3A_1218 = arith.cmpf oge, %get3A_1217, %min3A_1175 : vector<16xf32>
      %select_n3A_1219 = arith.select %ge3A_1218, %broadcast_in_dim3A_33, %broadcast_in_dim3A_35 : vector<16xi1>, vector<16xi32>
      %add3A_1220 = arith.addi %add3A_1215, %select_n3A_1219 : vector<16xi32>
      %get3A_1221 = arith.constant 153 : index
      %get3A_1222 = tpu.vector_load %arg6[%get3A_1221] {strides = array<i32>} : memref<544xf32, #tpu.memory_space<vmem>>, vector<16xf32>,
      %ge3A_1223 = arith.cmpf oge, %get3A_1222, %min3A_1175 : vector<16xf32>
      %select_n3A_1224 = arith.select %ge3A_1223, %broadcast_in_dim3A_33, %broadcast_in_dim3A_35 : vector<16xi1>, vector<16xi32>
      %add3A_1225 = arith.addi %add3A_1220, %select_n3A_1224 : vector<16xi32>
      %get3A_1226 = arith.constant 170 : index
      %get3A_1227 = tpu.vector_load %arg6[%get3A_1226] {strides = array<i32>} : memref<544xf32, #tpu.memory_space<vmem>>, vector<16xf32>,
      %ge3A_1228 = arith.cmpf oge, %get3A_1227, %min3A_1175 : vector<16xf32>
      %select_n3A_1229 = arith.select %ge3A_1228, %broadcast_in_dim3A_33, %broadcast_in_dim3A_35 : vector<16xi1>, vector<16xi32>
      %add3A_1230 = arith.addi %add3A_1225, %select_n3A_1229 : vector<16xi32>
      %get3A_1231 = arith.constant 187 : index
      %get3A_1232 = tpu.vector_load %arg6[%get3A_1231] {strides = array<i32>} : memref<544xf32, #tpu.memory_space<vmem>>, vector<16xf32>,
      %ge3A_1233 = arith.cmpf oge, %get3A_1232, %min3A_1175 : vector<16xf32>
      %select_n3A_1234 = arith.select %ge3A_1233, %broadcast_in_dim3A_33, %broadcast_in_dim3A_35 : vector<16xi1>, vector<16xi32>
      %add3A_1235 = arith.addi %add3A_1230, %select_n3A_1234 : vector<16xi32>
      %get3A_1236 = arith.constant 204 : index
      %get3A_1237 = tpu.vector_load %arg6[%get3A_1236] {strides = array<i32>} : memref<544xf32, #tpu.memory_space<vmem>>, vector<16xf32>,
      %ge3A_1238 = arith.cmpf oge, %get3A_1237, %min3A_1175 : vector<16xf32>
      %select_n3A_1239 = arith.select %ge3A_1238, %broadcast_in_dim3A_33, %broadcast_in_dim3A_35 : vector<16xi1>, vector<16xi32>
      %add3A_1240 = arith.addi %add3A_1235, %select_n3A_1239 : vector<16xi32>
      %get3A_1241 = arith.constant 221 : index
      %get3A_1242 = tpu.vector_load %arg6[%get3A_1241] {strides = array<i32>} : memref<544xf32, #tpu.memory_space<vmem>>, vector<16xf32>,
      %ge3A_1243 = arith.cmpf oge, %get3A_1242, %min3A_1175 : vector<16xf32>
      %select_n3A_1244 = arith.select %ge3A_1243, %broadcast_in_dim3A_33, %broadcast_in_dim3A_35 : vector<16xi1>, vector<16xi32>
      %add3A_1245 = arith.addi %add3A_1240, %select_n3A_1244 : vector<16xi32>
      %get3A_1246 = arith.constant 238 : index
      %get3A_1247 = tpu.vector_load %arg6[%get3A_1246] {strides = array<i32>} : memref<544xf32, #tpu.memory_space<vmem>>, vector<16xf32>,
      %ge3A_1248 = arith.cmpf oge, %get3A_1247, %min3A_1175 : vector<16xf32>
      %select_n3A_1249 = arith.select %ge3A_1248, %broadcast_in_dim3A_33, %broadcast_in_dim3A_35 : vector<16xi1>, vector<16xi32>
      %add3A_1250 = arith.addi %add3A_1245, %select_n3A_1249 : vector<16xi32>
      %get3A_1251 = arith.constant 255 : index
      %get3A_1252 = tpu.vector_load %arg6[%get3A_1251] {strides = array<i32>} : memref<544xf32, #tpu.memory_space<vmem>>, vector<16xf32>,
      %ge3A_1253 = arith.cmpf oge, %get3A_1252, %min3A_1175 : vector<16xf32>
      %select_n3A_1254 = arith.select %ge3A_1253, %broadcast_in_dim3A_33, %broadcast_in_dim3A_35 : vector<16xi1>, vector<16xi32>
      %add3A_1255 = arith.addi %add3A_1250, %select_n3A_1254 : vector<16xi32>
      %get3A_1256 = arith.constant 272 : index
      %get3A_1257 = tpu.vector_load %arg6[%get3A_1256] {strides = array<i32>} : memref<544xf32, #tpu.memory_space<vmem>>, vector<16xf32>,
      %ge3A_1258 = arith.cmpf oge, %get3A_1257, %min3A_1175 : vector<16xf32>
      %select_n3A_1259 = arith.select %ge3A_1258, %broadcast_in_dim3A_33, %broadcast_in_dim3A_35 : vector<16xi1>, vector<16xi32>
      %add3A_1260 = arith.addi %add3A_1255, %select_n3A_1259 : vector<16xi32>
      %get3A_1261 = arith.constant 289 : index
      %get3A_1262 = tpu.vector_load %arg6[%get3A_1261] {strides = array<i32>} : memref<544xf32, #tpu.memory_space<vmem>>, vector<16xf32>,
      %ge3A_1263 = arith.cmpf oge, %get3A_1262, %min3A_1175 : vector<16xf32>
      %select_n3A_1264 = arith.select %ge3A_1263, %broadcast_in_dim3A_33, %broadcast_in_dim3A_35 : vector<16xi1>, vector<16xi32>
      %add3A_1265 = arith.addi %add3A_1260, %select_n3A_1264 : vector<16xi32>
      %get3A_1266 = arith.constant 306 : index
      %get3A_1267 = tpu.vector_load %arg6[%get3A_1266] {strides = array<i32>} : memref<544xf32, #tpu.memory_space<vmem>>, vector<16xf32>,
      %ge3A_1268 = arith.cmpf oge, %get3A_1267, %min3A_1175 : vector<16xf32>
      %select_n3A_1269 = arith.select %ge3A_1268, %broadcast_in_dim3A_33, %broadcast_in_dim3A_35 : vector<16xi1>, vector<16xi32>
      %add3A_1270 = arith.addi %add3A_1265, %select_n3A_1269 : vector<16xi32>
      %get3A_1271 = arith.constant 323 : index
      %get3A_1272 = tpu.vector_load %arg6[%get3A_1271] {strides = array<i32>} : memref<544xf32, #tpu.memory_space<vmem>>, vector<16xf32>,
      %ge3A_1273 = arith.cmpf oge, %get3A_1272, %min3A_1175 : vector<16xf32>
      %select_n3A_1274 = arith.select %ge3A_1273, %broadcast_in_dim3A_33, %broadcast_in_dim3A_35 : vector<16xi1>, vector<16xi32>
      %add3A_1275 = arith.addi %add3A_1270, %select_n3A_1274 : vector<16xi32>
      %get3A_1276 = arith.constant 340 : index
      %get3A_1277 = tpu.vector_load %arg6[%get3A_1276] {strides = array<i32>} : memref<544xf32, #tpu.memory_space<vmem>>, vector<16xf32>,
      %ge3A_1278 = arith.cmpf oge, %get3A_1277, %min3A_1175 : vector<16xf32>
      %select_n3A_1279 = arith.select %ge3A_1278, %broadcast_in_dim3A_33, %broadcast_in_dim3A_35 : vector<16xi1>, vector<16xi32>
      %add3A_1280 = arith.addi %add3A_1275, %select_n3A_1279 : vector<16xi32>
      %get3A_1281 = arith.constant 357 : index
      %get3A_1282 = tpu.vector_load %arg6[%get3A_1281] {strides = array<i32>} : memref<544xf32, #tpu.memory_space<vmem>>, vector<16xf32>,
      %ge3A_1283 = arith.cmpf oge, %get3A_1282, %min3A_1175 : vector<16xf32>
      %select_n3A_1284 = arith.select %ge3A_1283, %broadcast_in_dim3A_33, %broadcast_in_dim3A_35 : vector<16xi1>, vector<16xi32>
      %add3A_1285 = arith.addi %add3A_1280, %select_n3A_1284 : vector<16xi32>
      %get3A_1286 = arith.constant 374 : index
      %get3A_1287 = tpu.vector_load %arg6[%get3A_1286] {strides = array<i32>} : memref<544xf32, #tpu.memory_space<vmem>>, vector<16xf32>,
      %ge3A_1288 = arith.cmpf oge, %get3A_1287, %min3A_1175 : vector<16xf32>
      %select_n3A_1289 = arith.select %ge3A_1288, %broadcast_in_dim3A_33, %broadcast_in_dim3A_35 : vector<16xi1>, vector<16xi32>
      %add3A_1290 = arith.addi %add3A_1285, %select_n3A_1289 : vector<16xi32>
      %get3A_1291 = arith.constant 391 : index
      %get3A_1292 = tpu.vector_load %arg6[%get3A_1291] {strides = array<i32>} : memref<544xf32, #tpu.memory_space<vmem>>, vector<16xf32>,
      %ge3A_1293 = arith.cmpf oge, %get3A_1292, %min3A_1175 : vector<16xf32>
      %select_n3A_1294 = arith.select %ge3A_1293, %broadcast_in_dim3A_33, %broadcast_in_dim3A_35 : vector<16xi1>, vector<16xi32>
      %add3A_1295 = arith.addi %add3A_1290, %select_n3A_1294 : vector<16xi32>
      %get3A_1296 = arith.constant 408 : index
      %get3A_1297 = tpu.vector_load %arg6[%get3A_1296] {strides = array<i32>} : memref<544xf32, #tpu.memory_space<vmem>>, vector<16xf32>,
      %ge3A_1298 = arith.cmpf oge, %get3A_1297, %min3A_1175 : vector<16xf32>
      %select_n3A_1299 = arith.select %ge3A_1298, %broadcast_in_dim3A_33, %broadcast_in_dim3A_35 : vector<16xi1>, vector<16xi32>
      %add3A_1300 = arith.addi %add3A_1295, %select_n3A_1299 : vector<16xi32>
      %get3A_1301 = arith.constant 425 : index
      %get3A_1302 = tpu.vector_load %arg6[%get3A_1301] {strides = array<i32>} : memref<544xf32, #tpu.memory_space<vmem>>, vector<16xf32>,
      %ge3A_1303 = arith.cmpf oge, %get3A_1302, %min3A_1175 : vector<16xf32>
      %select_n3A_1304 = arith.select %ge3A_1303, %broadcast_in_dim3A_33, %broadcast_in_dim3A_35 : vector<16xi1>, vector<16xi32>
      %add3A_1305 = arith.addi %add3A_1300, %select_n3A_1304 : vector<16xi32>
      %get3A_1306 = arith.constant 442 : index
      %get3A_1307 = tpu.vector_load %arg6[%get3A_1306] {strides = array<i32>} : memref<544xf32, #tpu.memory_space<vmem>>, vector<16xf32>,
      %ge3A_1308 = arith.cmpf oge, %get3A_1307, %min3A_1175 : vector<16xf32>
      %select_n3A_1309 = arith.select %ge3A_1308, %broadcast_in_dim3A_33, %broadcast_in_dim3A_35 : vector<16xi1>, vector<16xi32>
      %add3A_1310 = arith.addi %add3A_1305, %select_n3A_1309 : vector<16xi32>
      %get3A_1311 = arith.constant 459 : index
      %get3A_1312 = tpu.vector_load %arg6[%get3A_1311] {strides = array<i32>} : memref<544xf32, #tpu.memory_space<vmem>>, vector<16xf32>,
      %ge3A_1313 = arith.cmpf oge, %get3A_1312, %min3A_1175 : vector<16xf32>
      %select_n3A_1314 = arith.select %ge3A_1313, %broadcast_in_dim3A_33, %broadcast_in_dim3A_35 : vector<16xi1>, vector<16xi32>
      %add3A_1315 = arith.addi %add3A_1310, %select_n3A_1314 : vector<16xi32>
      %get3A_1316 = arith.constant 476 : index
      %get3A_1317 = tpu.vector_load %arg6[%get3A_1316] {strides = array<i32>} : memref<544xf32, #tpu.memory_space<vmem>>, vector<16xf32>,
      %ge3A_1318 = arith.cmpf oge, %get3A_1317, %min3A_1175 : vector<16xf32>
      %select_n3A_1319 = arith.select %ge3A_1318, %broadcast_in_dim3A_33, %broadcast_in_dim3A_35 : vector<16xi1>, vector<16xi32>
      %add3A_1320 = arith.addi %add3A_1315, %select_n3A_1319 : vector<16xi32>
      %get3A_1321 = arith.constant 493 : index
      %get3A_1322 = tpu.vector_load %arg6[%get3A_1321] {strides = array<i32>} : memref<544xf32, #tpu.memory_space<vmem>>, vector<16xf32>,
      %ge3A_1323 = arith.cmpf oge, %get3A_1322, %min3A_1175 : vector<16xf32>
      %select_n3A_1324 = arith.select %ge3A_1323, %broadcast_in_dim3A_33, %broadcast_in_dim3A_35 : vector<16xi1>, vector<16xi32>
      %add3A_1325 = arith.addi %add3A_1320, %select_n3A_1324 : vector<16xi32>
      %get3A_1326 = arith.constant 510 : index
      %get3A_1327 = tpu.vector_load %arg6[%get3A_1326] {strides = array<i32>} : memref<544xf32, #tpu.memory_space<vmem>>, vector<16xf32>,
      %ge3A_1328 = arith.cmpf oge, %get3A_1327, %min3A_1175 : vector<16xf32>
      %select_n3A_1329 = arith.select %ge3A_1328, %broadcast_in_dim3A_33, %broadcast_in_dim3A_35 : vector<16xi1>, vector<16xi32>
      %add3A_1330 = arith.addi %add3A_1325, %select_n3A_1329 : vector<16xi32>
      %get3A_1331 = arith.constant 527 : index
      %get3A_1332 = tpu.vector_load %arg6[%get3A_1331] {strides = array<i32>} : memref<544xf32, #tpu.memory_space<vmem>>, vector<16xf32>,
      %ge3A_1333 = arith.cmpf oge, %get3A_1332, %min3A_1175 : vector<16xf32>
      %select_n3A_1334 = arith.select %ge3A_1333, %broadcast_in_dim3A_33, %broadcast_in_dim3A_35 : vector<16xi1>, vector<16xi32>
      %add3A_1335 = arith.addi %add3A_1330, %select_n3A_1334 : vector<16xi32>
      %add3A_1336 = arith.addi %add3A_692, %add3A_1335 : vector<16xi32>
      scf.yield %add3A_1336 : vector<16xi32>
    }
    %scan3A_51 = arith.constant 16 : i32
    %swap3A = arith.constant 0 : index
    %swap3A_52 = tpu.vector_load %arg7[%swap3A] {strides = array<i32>} : memref<16xi32, #tpu.memory_space<vmem>>, vector<16xi32>,
    tpu.vector_store %arg7[%swap3A], %scan3A_50 {strides = array<i32>} : memref<16xi32, #tpu.memory_space<vmem>>, vector<16xi32>,
    "tpu.region"() ({
      %run_scoped3A = tpu.sem_alloc : memref<!tpu.dma_semaphore, #tpu.memory_space<semaphore_mem>>
      %dma_start3A = arith.constant 0 : i32
      %dma_start3A_53 = tpu.memref_slice %arg3[%add3A, %dma_start3A] : memref<32x16xi32, #tpu.memory_space<hbm>> -> memref<1x16xi32, #tpu.memory_space<hbm>>
      %dma_start3A_54 = tpu.memref_squeeze %dma_start3A_53 : memref<1x16xi32, #tpu.memory_space<hbm>> -> memref<16xi32, #tpu.memory_space<hbm>>
      %dma_start3A_55 = arith.constant 0 : i32
      %dma_start3A_56 = tpu.memref_slice %arg3[%add3A, %dma_start3A_55] : memref<32x16xi32, #tpu.memory_space<hbm>> -> memref<1x16xi32, #tpu.memory_space<hbm>>
      %dma_start3A_57 = tpu.memref_squeeze %dma_start3A_56 : memref<1x16xi32, #tpu.memory_space<hbm>> -> memref<16xi32, #tpu.memory_space<hbm>>
      tpu.enqueue_dma source(%arg7 : memref<16xi32, #tpu.memory_space<vmem>>) target(%dma_start3A_57 : memref<16xi32, #tpu.memory_space<hbm>>) target_semaphore(%run_scoped3A : memref<!tpu.dma_semaphore, #tpu.memory_space<semaphore_mem>>)
      %dma_wait3A = arith.constant 0 : i32
      %dma_wait3A_58 = tpu.memref_slice %arg3[%add3A, %dma_wait3A] : memref<32x16xi32, #tpu.memory_space<hbm>> -> memref<1x16xi32, #tpu.memory_space<hbm>>
      %dma_wait3A_59 = tpu.memref_squeeze %dma_wait3A_58 : memref<1x16xi32, #tpu.memory_space<hbm>> -> memref<16xi32, #tpu.memory_space<hbm>>
      %dma_wait3A_60 = arith.constant 0 : i32
      %dma_wait3A_61 = tpu.memref_slice %arg3[%add3A, %dma_wait3A_60] : memref<32x16xi32, #tpu.memory_space<hbm>> -> memref<1x16xi32, #tpu.memory_space<hbm>>
      %dma_wait3A_62 = tpu.memref_squeeze %dma_wait3A_61 : memref<1x16xi32, #tpu.memory_space<hbm>> -> memref<16xi32, #tpu.memory_space<hbm>>
      tpu.wait_dma2 semaphore(%run_scoped3A : memref<!tpu.dma_semaphore, #tpu.memory_space<semaphore_mem>>) src(%arg7 : memref<16xi32, #tpu.memory_space<vmem>>) dst(%dma_wait3A_62 : memref<16xi32, #tpu.memory_space<hbm>>)
      tpu.yield
    }) : () -> ()
    return
  }
}

module attributes {stable_mosaic.version = 14 : i64} {
  func.func @_sum_body(%arg0: memref<32x16xi32, #tpu.memory_space<vmem>>, %arg1: memref<1x1xi32, #tpu.memory_space<smem>>, %arg2: memref<1x1xi32, #tpu.memory_space<smem>>) attributes {dimension_semantics = [], scalar_prefetch = 0 : i64, scratch_operands = 0 : i64, tpu.core_type = #tpu.core_type<tc>} {
    %get3A = arith.constant 0 : index
    %get3A_0 = arith.constant 0 : index
    %get3A_1 = vector.load %arg0[%get3A, %get3A_0] : memref<32x16xi32, #tpu.memory_space<vmem>>, vector<32x16xi32>
    %reduce_sum3A = vector.shape_cast %get3A_1 : vector<32x16xi32> to vector<1x32x16xi32>
    %reduce_sum3A_2 = arith.constant dense<0> : vector<1xi32>
    %reduce_sum3A_3 = vector.multi_reduction <add>, %reduce_sum3A, %reduce_sum3A_2 [1, 2] : vector<1x32x16xi32> to vector<1xi32>
    %reduce_sum3A_4 = vector.shape_cast %reduce_sum3A_3 : vector<1xi32> to vector<1x1x1xi32>
    %reduce_sum3A_5 = vector.extract %reduce_sum3A_4[0, 0, 0] : i32 from vector<1x1x1xi32>
    %get3A_6 = arith.constant 0 : index
    %get3A_7 = arith.constant 0 : index
    %get3A_8 = memref.load %arg1[%get3A_6, %get3A_7] : memref<1x1xi32, #tpu.memory_space<smem>>
    %add3A = arith.addi %reduce_sum3A_5, %get3A_8 : i32
    %swap3A = arith.constant 0 : index
    %swap3A_9 = arith.constant 0 : index
    %swap3A_10 = memref.load %arg2[%swap3A, %swap3A_9] : memref<1x1xi32, #tpu.memory_space<smem>>
    memref.store %add3A, %arg2[%swap3A, %swap3A_9] : memref<1x1xi32, #tpu.memory_space<smem>>
    return
  }
}

module attributes {stable_mosaic.version = 14 : i64} {
  func.func @_tc_count_body(%arg0: i32, %arg1: i32, %arg2: memref<1x8192x32xf32, #tpu.memory_space<vmem>>, %arg3: memref<1x1xi32, #tpu.memory_space<smem>>) attributes {dimension_semantics = [#tpu.dimension_semantics<arbitrary>, #tpu.dimension_semantics<arbitrary>], iteration_bounds = array<i64: 2, 1>, scalar_prefetch = 0 : i64, scratch_operands = 0 : i64, tpu.core_type = #tpu.core_type<tc>, window_params = [{transform_indices = @transform_0, window_bounds = array<i64: 1, 8192, 32>}, {transform_indices = @transform_1, window_bounds = array<i64: 1, 1>}]} {
    %eq3A = arith.constant 0 : i32
    %eq3A_0 = arith.cmpi eq, %arg0, %eq3A : i32
    %eq3A_1 = arith.constant 0 : i32
    %eq3A_2 = arith.cmpi eq, %arg1, %eq3A_1 : i32
    %and3A = arith.andi %eq3A_0, %eq3A_2 : i1
    %convert_element_type3A = arith.extui %and3A : i1 to i32
    %cond3A = arith.constant 0 : i32
    %cond3A_3 = arith.cmpi ne, %convert_element_type3A, %cond3A : i32
    scf.if %cond3A_3 {
      %swap3A_42 = arith.constant 0 : i32
      %swap3A_43 = arith.constant 0 : index
      %swap3A_44 = arith.constant 0 : index
      %swap3A_45 = memref.load %arg3[%swap3A_43, %swap3A_44] : memref<1x1xi32, #tpu.memory_space<smem>>
      memref.store %swap3A_42, %arg3[%swap3A_43, %swap3A_44] : memref<1x1xi32, #tpu.memory_space<smem>>
    } else {
    }
    %get3A = arith.constant 0 : index
    %get3A_4 = arith.constant 0 : index
    %get3A_5 = arith.constant 0 : index
    %get3A_6 = vector.load %arg2[%get3A, %get3A_4, %get3A_5] : memref<1x8192x32xf32, #tpu.memory_space<vmem>>, vector<1x8192x32xf32>
    %get3A_7 = vector.shape_cast %get3A_6 : vector<1x8192x32xf32> to vector<8192x32xf32>
    %reduce_max3A = arith.constant dense<0xFF800000> : vector<8192xf32>
    %reduce_max3A_8 = vector.multi_reduction <maximumf>, %get3A_7, %reduce_max3A [1] : vector<8192x32xf32> to vector<8192xf32>
    %broadcast_in_dim3A = vector.shape_cast %reduce_max3A_8 : vector<8192xf32> to vector<8192x1xf32>
    %ge3A = vector.broadcast %broadcast_in_dim3A : vector<8192x1xf32> to vector<8192x32xf32>
    %ge3A_9 = arith.cmpf oge, %get3A_7, %ge3A : vector<8192x32xf32>
    %jit3A = arith.constant 0xFF800000 : f32
    %broadcast_in_dim3A_10 = vector.broadcast %jit3A : f32 to vector<8192x32xf32>
    %select_n3A = arith.select %ge3A_9, %broadcast_in_dim3A_10, %get3A_7 : vector<8192x32xi1>, vector<8192x32xf32>
    %reduce_max3A_11 = arith.constant dense<0xFF800000> : vector<8192xf32>
    %reduce_max3A_12 = vector.multi_reduction <maximumf>, %select_n3A, %reduce_max3A_11 [1] : vector<8192x32xf32> to vector<8192xf32>
    %broadcast_in_dim3A_13 = vector.shape_cast %reduce_max3A_12 : vector<8192xf32> to vector<8192x1xf32>
    %ge3A_14 = vector.broadcast %broadcast_in_dim3A_13 : vector<8192x1xf32> to vector<8192x32xf32>
    %ge3A_15 = arith.cmpf oge, %select_n3A, %ge3A_14 : vector<8192x32xf32>
    %jit3A_16 = arith.constant 0xFF800000 : f32
    %broadcast_in_dim3A_17 = vector.broadcast %jit3A_16 : f32 to vector<8192x32xf32>
    %select_n3A_18 = arith.select %ge3A_15, %broadcast_in_dim3A_17, %select_n3A : vector<8192x32xi1>, vector<8192x32xf32>
    %reduce_max3A_19 = arith.constant dense<0xFF800000> : vector<8192xf32>
    %reduce_max3A_20 = vector.multi_reduction <maximumf>, %select_n3A_18, %reduce_max3A_19 [1] : vector<8192x32xf32> to vector<8192xf32>
    %broadcast_in_dim3A_21 = vector.shape_cast %reduce_max3A_20 : vector<8192xf32> to vector<8192x1xf32>
    %ge3A_22 = vector.broadcast %broadcast_in_dim3A_21 : vector<8192x1xf32> to vector<8192x32xf32>
    %ge3A_23 = arith.cmpf oge, %select_n3A_18, %ge3A_22 : vector<8192x32xf32>
    %jit3A_24 = arith.constant 0xFF800000 : f32
    %broadcast_in_dim3A_25 = vector.broadcast %jit3A_24 : f32 to vector<8192x32xf32>
    %select_n3A_26 = arith.select %ge3A_23, %broadcast_in_dim3A_25, %select_n3A_18 : vector<8192x32xi1>, vector<8192x32xf32>
    %reduce_max3A_27 = arith.constant dense<0xFF800000> : vector<8192xf32>
    %reduce_max3A_28 = vector.multi_reduction <maximumf>, %select_n3A_26, %reduce_max3A_27 [1] : vector<8192x32xf32> to vector<8192xf32>
    %broadcast_in_dim3A_29 = vector.shape_cast %reduce_max3A_28 : vector<8192xf32> to vector<8192x1xf32>
    %get3A_30 = arith.constant 0 : index
    %get3A_31 = arith.constant 0 : index
    %get3A_32 = memref.load %arg3[%get3A_30, %get3A_31] : memref<1x1xi32, #tpu.memory_space<smem>>
    %ge3A_33 = vector.broadcast %broadcast_in_dim3A_29 : vector<8192x1xf32> to vector<8192x32xf32>
    %ge3A_34 = arith.cmpf oge, %get3A_7, %ge3A_33 : vector<8192x32xf32>
    %convert_element_type3A_35 = arith.extui %ge3A_34 : vector<8192x32xi1> to vector<8192x32xi32>
    %reduce_sum3A = vector.shape_cast %convert_element_type3A_35 : vector<8192x32xi32> to vector<1x8192x32xi32>
    %reduce_sum3A_36 = arith.constant dense<0> : vector<1xi32>
    %reduce_sum3A_37 = vector.multi_reduction <add>, %reduce_sum3A, %reduce_sum3A_36 [1, 2] : vector<1x8192x32xi32> to vector<1xi32>
    %reduce_sum3A_38 = vector.shape_cast %reduce_sum3A_37 : vector<1xi32> to vector<1x1x1xi32>
    %reduce_sum3A_39 = vector.extract %reduce_sum3A_38[0, 0, 0] : i32 from vector<1x1x1xi32>
    %add3A = arith.addi %get3A_32, %reduce_sum3A_39 : i32
    %swap3A = arith.constant 0 : index
    %swap3A_40 = arith.constant 0 : index
    %swap3A_41 = memref.load %arg3[%swap3A, %swap3A_40] : memref<1x1xi32, #tpu.memory_space<smem>>
    memref.store %add3A, %arg3[%swap3A, %swap3A_40] : memref<1x1xi32, #tpu.memory_space<smem>>
    return
  }
  func.func @transform_0(%arg0: i32, %arg1: i32) -> (i32, i32, i32) {
    %add3A = arith.constant 2 : i32
    %add3A_0 = arith.addi %arg0, %add3A : i32
    %c0_i32 = arith.constant 0 : i32
    %c0_i32_1 = arith.constant 0 : i32
    return %add3A_0, %arg1, %c0_i32 : i32, i32, i32
  }
  func.func @transform_1(%arg0: i32, %arg1: i32) -> (i32, i32) {
    %c0_i32 = arith.constant 0 : i32
    %c0_i32_0 = arith.constant 0 : i32
    %c0_i32_1 = arith.constant 0 : i32
    return %c0_i32, %c0_i32_0 : i32, i32
  }
}

</mosaic_0001>

<sc_bundles>
// kernel: kernel.5.cloned.1.call-start
scs
__scs_entry_jumppad:
0x0: {  	(pc) =	sbr.rel $0x88, $3  }
0x1: {  	(tag) =	ssettag $0x0;
	lr =	simm.s32 $0x1  }
0x2: {  	[smem:$0x3FA0] =	sst lr;
	_ =	strace $0xD0000000  }
0x3: {  	_ = 	snop  }
0x4: {  	_ = 	snop  }
0x5: {  	_ = 	snop  }
0x6: {  	_ = 	snop  }
0x7: {  	_ = 	snop  }
__scs_overlays_trampoline_lowered:
0x8: {  	[smem:$0x3FAF] =	sst s0  }
0x9: {  	[smem:$0x3FB0] =	sst s1  }
0xa: {  	[smem:$0x3FB1] =	sst s2  }
0xb: {  	[smem:$0x3FB2] =	sst s3  }
0xc: {  	[smem:$0x3FB3] =	sst s4  }
0xd: {  	[smem:$0x3FB4] =	sst s5  }
0xe: {  	[smem:$0x3FB5] =	sst s6  }
0xf: {  	[smem:$0x3FB6] =	sst s7  }
0x10: {  	[smem:$0x3FB7] =	sst s8  }
0x11: {  	[smem:$0x3FB8] =	sst s9;
	s0 =	simm.s32 @!p0 $0x0  }
0x12: {  	s1 =	sld [smem:$0x3F9E];
	s0 =	simm.s32 @p0 $0x1  }
0x13: {  	[smem:$0x3FB9] =	sst s0;
	s0 =	simm.s32 @!p1 $0x0  }
0x14: {  	s2 =	sld [smem:$0x3F9D];
	s0 =	simm.s32 @p1 $0x1  }
0x15: {  	[smem:$0x3FBA] =	sst s0;
	s0 =	simm.s32 @!p2 $0x0  }
0x16: {  	s3 =	sld [smem:$0x3FDB];
	s0 =	simm.s32 @p2 $0x1  }
0x17: {  	s4 =	simm.s32 $0x1BF5;
	[smem:$0x3FBC] =	sst s0  }
0x18: {  	s0 =	sld [smem:$0x3F9F];
	_ =	swait.ge [sflag:s4], $0x0  }
0x19: {  	s7 =	sld [smem:$0x3FA0]  }
0x1a: {  	s8 =	sadd.s32 $0xFFFFE003, lr  }
0x1b: {  	s9 =	sadd.s32 $0xFFFFFEF7, lr;
	s5 =	simm.s32 $0xFFFFFFFF;
	p2 =	slt.u32 s8, $0xFFFFF086  }
0x1c: {  	p1 =	slt.u32 s9, $0xF7A;
	s5 =	simm.s32 @!p2 $0x0  }
0x1d: {  	s5 =	simm.s32 @p1 $0x1;
	p0 =	seq.s32 s7, s2  }
0x1e: {  	s7 =	smul.u32 @!p0 $0xF7A, s2;
	p2 =	seq.s32 @!p0 s5, $0x0  }
0x1f: {  	s9 =	smul.u32 $0xF7A, s1;
	s8 =	simm.s32 @!p0 $0x1BF5;
	p2 =	por !p2, p0  }
0x20: {  	[sflag:s8] =	ssyncset.s32 @!p0 $0xFFFFF086;
	s6 =	sadd.s32 @!p0 s3, s7;
	s7 =	simm.s32 @!p0 $0x108  }
0x21: {  	s3 =	sadd.s32 s3, s9;
	s6 =	sadd.s32 @!p0 $0x88, s6;
	s7 =	simm.s32 @p2 $0x1082  }
0x22: {  	[simem:s7], [sflag:s8] =	dma.local @!p0 [hbm:s6], $0xF7A  }
0x23: {  	s9 =	sor.u32 $0xD0000000, s2;
	s6 =	simm.s32 $0x108;
	_ =	swait.ge @!p0 [sflag:s8], $0x0  }
0x24: {  	s3 =	sadd.s32 $0x88, s3;
	s6 =	simm.s32 @!p1 $0x1082;
	[sflag:s4] =	ssyncset.s32 $0xFFFFF086  }
0x25: {  	[simem:s6], [sflag:s4] =	dma.local [hbm:s3], $0xF7A  }
0x26: {  	[smem:$0x3FA0] =	sst s1;
	(tag) =	ssettag s2;
	_ =	strace s9  }
0x27: {  	s1 =	sld [smem:$0x3FB0]  }
0x28: {  	s2 =	sld [smem:$0x3FB1]  }
0x29: {  	s4 =	sld [smem:$0x3FB3]  }
0x2a: {  	p0 =	seq.s32 s5, $0x0;
	s5 =	sld [smem:$0x3FB4]  }
0x2b: {  	s6 =	sld [smem:$0x3FB5]  }
0x2c: {  	s7 =	sld [smem:$0x3FB6]  }
0x2d: {  	s3 =	simm.s32 $0x108;
	s8 =	sld [smem:$0x3FB7]  }
0x2e: {  	s3 =	simm.s32 @!p0 $0x1082;
	s9 =	sld [smem:$0x3FB8]  }
0x2f: {  	lr =	sadd.s32 s0, s3;
	s0 =	sld [smem:$0x3FAF]  }
0x30: {  	s3 =	sld [smem:$0x3FB2]  }
0x31: {  	[smem:$0x3FBB] =	sst s10  }
0x32: {  	s10 =	sld [smem:$0x3FB9];
	_ =	sdelay $0x3  }
0x33: {  	p0 =	seq.s32 s10, $0x1;
	s10 =	sld [smem:$0x3FBB];
	_ =	sdelay $0x3  }
0x34: {  	[smem:$0x3FBB] =	sst s10  }
0x35: {  	s10 =	sld [smem:$0x3FBA];
	_ =	sdelay $0x3  }
0x36: {  	p1 =	seq.s32 s10, $0x1;
	s10 =	sld [smem:$0x3FBB];
	_ =	sdelay $0x3  }
0x37: {  	[smem:$0x3FBB] =	sst s10  }
0x38: {  	s10 =	sld [smem:$0x3FBC]  }
0x39: {  	_ = 	snop;
	(pc) =	sbr.ind lr, $3  }
0x3a: {  	_ = 	snop  }
0x3b: {  	_ = 	snop  }
0x3c: {  	p2 =	seq.s32 s10, $0x1;
	s10 =	sld [smem:$0x3FBB]  }
0x3d: {  	_ =	shalt  }
0x3e: {  	_ =	shalt  }
0x3f: {  	_ =	shalt  }
0x40: {  	_ =	shalt  }
0x41: {  	_ =	shalt  }
0x42: {  	_ =	shalt  }
0x43: {  	_ =	shalt  }
0x44: {  	_ =	shalt  }
0x45: {  	_ =	shalt  }
0x46: {  	_ =	shalt  }
0x47: {  	_ =	shalt  }
0x48: {  	_ =	shalt  }
0x49: {  	_ =	shalt  }
0x4a: {  	_ =	shalt  }
0x4b: {  	_ =	shalt  }
0x4c: {  	_ =	shalt  }
0x4d: {  	_ =	shalt  }
0x4e: {  	_ =	shalt  }
0x4f: {  	_ =	shalt  }
0x50: {  	_ =	shalt  }
0x51: {  	_ =	shalt  }
0x52: {  	_ =	shalt  }
0x53: {  	_ =	shalt  }
0x54: {  	_ =	shalt  }
0x55: {  	_ =	shalt  }
0x56: {  	_ =	shalt  }
0x57: {  	_ =	shalt  }
0x58: {  	_ =	shalt  }
0x59: {  	_ =	shalt  }
0x5a: {  	_ =	shalt  }
0x5b: {  	_ =	shalt  }
0x5c: {  	_ =	shalt  }
0x5d: {  	_ =	shalt  }
0x5e: {  	_ =	shalt  }
0x5f: {  	_ =	shalt  }
0x60: {  	_ =	shalt  }
0x61: {  	_ =	shalt  }
0x62: {  	_ =	shalt  }
0x63: {  	_ =	shalt  }
0x64: {  	_ =	shalt  }
0x65: {  	_ =	shalt  }
0x66: {  	_ =	shalt  }
0x67: {  	_ =	shalt  }
0x68: {  	_ =	shalt  }
0x69: {  	_ =	shalt  }
0x6a: {  	_ =	shalt  }
0x6b: {  	_ =	shalt  }
0x6c: {  	_ =	shalt  }
0x6d: {  	_ =	shalt  }
0x6e: {  	_ =	shalt  }
0x6f: {  	_ =	shalt  }
0x70: {  	_ =	shalt  }
0x71: {  	_ =	shalt  }
0x72: {  	_ =	shalt  }
0x73: {  	_ =	shalt  }
0x74: {  	_ =	shalt  }
0x75: {  	_ =	shalt  }
0x76: {  	_ =	shalt  }
0x77: {  	_ =	shalt  }
0x78: {  	_ =	shalt  }
0x79: {  	_ =	shalt  }
0x7a: {  	_ =	shalt  }
0x7b: {  	_ =	shalt  }
0x7c: {  	_ =	shalt  }
0x7d: {  	_ =	shalt  }
0x7e: {  	_ =	shalt  }
0x7f: {  	_ =	shalt  }
0x80: {  	_ =	shalt  }
0x81: {  	_ =	shalt  }
0x82: {  	_ =	shalt  }
0x83: {  	_ =	shalt  }
0x84: {  	_ =	shalt  }
0x85: {  	_ =	shalt  }
0x86: {  	_ =	shalt  }
0x87: {  	_ =	shalt  }
.Lfunc_end0:
.L_simem_size_0:
called_computation_lowered:
.L_overlay_start_0:
0x88: {  	s2 =	sld [smem:$0x3FD9]  }
0x89: {  	s3 =	sld [smem:$0x3FFE];
	_ =	sdelay $0x1  }
0x8a: {  	s1 =	srdreg.scid  }
0x8b: {  	s0 =	sand.u32 $0x1, s1  }
0x8c: {  	s16 =	sshll.u32 s0, $0xA;
	s2 =	sadd.s32 s3, s2  }
0x8d: {  	s2 =	sadd.s32 s2, s16  }
0x8e: {  	[smem:$0x3FC7] =	sst s2  }
0x8f: {  	_ = 	snop  }
0x90: {  	(tm) =	ssettm $0x1  }
0x91: {  	s17 =	sld [smem:$0x3FFB];
	_ =	sdelay $0x3  }
0x92: {  	_ =	strace s17  }
0x93: {  	s2 =	sld [smem:$0x3FFC];
	_ =	sdelay $0x3  }
0x94: {  	_ =	strace s2  }
0x95: {  	s2 =	sld [smem:$0x3FFD];
	_ =	sdelay $0x3  }
0x96: {  	_ =	strace s2  }
0x97: {  	_ =	strace $0x8FFFFFFF  }
0x98: {  	s18 =	sld [smem:$0x3FDB];
	_ =	sdelay $0x1  }
0x99: {  	s19 =	simm.s32 $_scs_section_size  }
0x9a: {  	s4 =	simm.s32 $_size__tile_overlayer_lowered;
	s5 =	simm.s32 $_tile_overlayer_lowered  }
0x9b: {  	s22 =	simm.s32 $0x1BFF;
	s21 =	sshll.u32 s5, $0x1;
	s2 =	sadd.s32 s19, s18  }
0x9c: {  	s6 =	simm.s32 $0x0;
	s20 =	sshll.u32 s4, $0x1;
	s4 =	sadd.s32 s21, s2  }
0x9d: {  	[timem:s6], [sflag:s22] =	dma.local [hbm:s4], s20  }
0x9e: {  	_ =	swait.ge [sflag:s22], s20  }
0x9f: {  	s3 =	ssub.s32 $0x0, s20;
	[sflag:s22] =	ssyncset.done $0x0  }
0xa0: {  	[sflag:s22] =	ssyncadd.s32 s3;
	_ =	sdelay $0x1  }
0xa1: {  	s23 =	simm.s32 $0x1B8B  }
0xa2: {  	_ =	swait.ge [sflag:s23], $0x1  }
0xa3: {  	[sflag:s23] =	ssyncset.done $0x0  }
0xa4: {  	s25 =	simm.s32 $0x1B8E;
	s24 =	sld [smem:$0x3FFE];
	[sflag:s23] =	ssyncadd.s32 $0xFFFFFFFF  }
0xa5: {  	s26 =	simm.s32 $execute0_lowered;
	[smem:$0x3FD2] =	sst s25  }
0xa6: {  	s4 =	sshll.u32 s26, $0x1;
	_ =	strace $0x80000046;
	[dreg:$0x1] =	wrdreg $0xFFFFFFFF  }
0xa7: {  	s28 =	simm.s32 $_size_execute0_lowered;
	s2 =	sadd.s32 s2, s4;
	[dreg:$0x0] =	wrdreg $0x0  }
0xa8: {  	s4 =	sshll.u32 s28, $0x1;
	[dreg:$0x2] =	wrdreg s2  }
0xa9: {  	[dreg:$0x3] =	wrdreg s4  }
0xaa: {  	[dreg:$0x4] =	wrdreg $0xC0  }
0xab: {  	_ =	task [dreg:s6], $0x5FFFF  }
0xac: {  	[dreg:$0x1] =	wrdreg $0xFFFFFFFF  }
0xad: {  	[dreg:$0x0] =	wrdreg $0x60  }
0xae: {  	[dreg:$0x2] =	wrdreg s24  }
0xaf: {  	[dreg:$0x3] =	wrdreg $0x9  }
0xb0: {  	_ =	task.clear_ibuf [dreg:s6], $0x4FFFF;
	_ =	strace $0x90000046  }
0xb1: {  	s29 =	simm.s32 $0x9;
	_ =	strace $0x80000048  }
0xb2: {  	_ =	swait.ge [sflag:s29], $0x1  }
0xb3: {  	[sflag:s29] =	ssyncadd.s32 $0xFFFFFFFF  }
0xb4: {  	_ =	strace $0x90000048  }
0xb5: {  	_ =	sfence  }
0xb6: {  	s30 =	sld [smem:$0x0];
	_ =	sdelay $0x2  }
0xb7: {  	s31 =	sshll.u32 s1, $0xD;
	s1 =	sshrl.u32 s1, $0x2  }
0xb8: {  	s3 =	sand.u32 $0x4000, s31;
	s1 =	sadd.s32 s1, s30  }
0xb9: {  	s0 =	sor.u32 s3, s0;
	s1 =	sshll.u32 s1, $0x11  }
0xba: {  	s0 =	sor.u32 s1, s0  }
0xbb: {  	s0 =	sadd.s32 $0x8F2B, s0  }
0xbc: {  	[sflag:s0] =	ssyncadd.remote.s32 $0x1  }
0xbd: {  	_ =	sfence.sel $0xFFFF  }
0xbe: {  	[dreg:$0x0] =	wrdreg $0xFFFFFFFF;
	(pc) =	sbr.abs _section_cstart, $3  }
0xbf: {  	[dreg:$0x1] =	wrdreg $0xFFFFFFFF  }
0xc0: {  	_ =	task.clear_ibuf [dreg:s6], $0x2FFFF;
	_ =	strace $0x9FFFFFFF  }
0xc1: {  	(tm) =	ssettm $0x7FFFFFFF  }
tec
execute0_lowered:
.L_overlay_start_1:
0x0: {  	(tag) =	ssettag $0x1  }
0x1: {  	v0 =	vlaneseq.u32  }
0x2: {  	s3 =	rddreg [dreg:$0x0];
	s2 =	simm.s32 $0x0;
	v2 =	vmul.u32 $0x11, v0  }
0x3: {  	[smem:$0x7FF] =	sst s2  }
0x4: {  	s0 =	rddreg [dreg:$0x1];
	_ =	strace $0x80000047;
	v6 =	vadd.s32 $0x110, v2;
	[tilespmem:$0x1FE00] =	vst v2  }
0x5: {  	v7 =	vadd.s32 $0x1, v2;
	[tilespmem:$0x1FE10] =	vst v6  }
0x6: {  	v8 =	vadd.s32 $0x111, v2;
	[tilespmem:$0x1FE20] =	vst v7  }
0x7: {  	v9 =	vadd.s32 $0x2, v2;
	[tilespmem:$0x1FE30] =	vst v8  }
0x8: {  	v10 =	vadd.s32 $0x112, v2;
	[tilespmem:$0x1FE40] =	vst v9  }
0x9: {  	v11 =	vadd.s32 $0x3, v2;
	[tilespmem:$0x1FE50] =	vst v10  }
0xa: {  	v12 =	vadd.s32 $0x113, v2;
	[tilespmem:$0x1FE60] =	vst v11  }
0xb: {  	v13 =	vadd.s32 $0x4, v2;
	[tilespmem:$0x1FE70] =	vst v12  }
0xc: {  	v14 =	vadd.s32 $0x114, v2;
	[tilespmem:$0x1FE80] =	vst v13  }
0xd: {  	v15 =	vadd.s32 $0x5, v2;
	[tilespmem:$0x1FE90] =	vst v14  }
0xe: {  	v16 =	vadd.s32 $0x115, v2;
	[tilespmem:$0x1FEA0] =	vst v15  }
0xf: {  	v17 =	vadd.s32 $0x6, v2;
	[tilespmem:$0x1FEB0] =	vst v16  }
0x10: {  	v18 =	vadd.s32 $0x116, v2;
	[tilespmem:$0x1FEC0] =	vst v17  }
0x11: {  	v19 =	vadd.s32 $0x7, v2;
	[tilespmem:$0x1FED0] =	vst v18  }
0x12: {  	v20 =	vadd.s32 $0x117, v2;
	[tilespmem:$0x1FEE0] =	vst v19  }
0x13: {  	v25 =	vadd.s32 $0x8, v2;
	[tilespmem:$0x1FEF0] =	vst v20  }
0x14: {  	v26 =	vadd.s32 $0x118, v2;
	[tilespmem:$0x1FF00] =	vst v25  }
0x15: {  	v53 =	vadd.s32 $0x9, v2;
	[tilespmem:$0x1FF10] =	vst v26  }
0x16: {  	v63 =	vadd.s32 $0x119, v2;
	[tilespmem:$0x1FF20] =	vst v53  }
0x17: {  	v3 =	vadd.s32 $0xA, v2;
	[tilespmem:$0x1FF30] =	vst v63  }
0x18: {  	v4 =	vadd.s32 $0x11A, v2;
	[tilespmem:$0x1FF40] =	vst v3  }
0x19: {  	v5 =	vadd.s32 $0xB, v2;
	[tilespmem:$0x1FF50] =	vst v4  }
0x1a: {  	v21 =	vadd.s32 $0x11B, v2;
	[tilespmem:$0x1FF60] =	vst v5  }
0x1b: {  	v22 =	vadd.s32 $0xC, v2;
	[tilespmem:$0x1FF70] =	vst v21  }
0x1c: {  	s1 =	stileid.u32;
	s4 =	srdreg.scid;
	s8 =	simm.s32 $0x10280;
	v23 =	vadd.s32 $0x11C, v2;
	[tilespmem:$0x1FF80] =	vst v22  }
0x1d: {  	s9 =	simm.s32 $0x10500;
	s10 =	simm.s32 $0x0;
	s5 =	sshll.u32 s1, $0xE;
	v24 =	vadd.s32 $0xD, v2;
	[tilespmem:$0x1FF90] =	vst v23  }
0x1e: {  	s4 =	sand.u32 $0x1, s4;
	s6 =	sshll.u32 s1, $0x1;
	s5 =	sand.u32 $0x20000, s5;
	v27 =	vadd.s32 $0x11D, v2;
	[tilespmem:$0x1FFA0] =	vst v24  }
0x1f: {  	s6 =	sor.u32 s4, s6;
	s4 =	ssub.s32 $0x2, s4;
	s5 =	sadd.s32 s5, s3;
	v28 =	vadd.s32 $0xE, v2;
	[tilespmem:$0x1FFB0] =	vst v27  }
0x20: {  	s7 =	sshll.u32 s6, $0xD;
	s6 =	sshll.u32 s6, $0x4;
	s30 =	sshrl.u32 s4, $0x1;
	v29 =	vadd.s32 $0x11E, v2;
	[tilespmem:$0x1FFC0] =	vst v28  }
0x21: {  	v30 =	vadd.s32 $0xF, v2;
	s7 =	sand.u32 $0x1E000, s7;
	s6 =	sadd.s32 s6, s3;
	s31 =	ssub.s32 s4, s30;
	[tilespmem:$0x1FFD0] =	vst v29  }
0x22: {  	v31 =	vadd.s32 $0x11F, v2;
	[tilespmem:$0x1FFE0] =	vst v30;
	s5 =	sadd.s32 s7, s5;
	s4 =	sadd.s32 $0x80800, s6;
	s6 =	simm.s32 $0x1  }
0x23: {  	v40 =	vimm.s32 $0x0;
	[tilespmem:$0x1FFF0] =	vst v31;
	s7 =	simm.s32 $0x10000;
	s3 =	sadd.s32 $0x800, s5;
	s5 =	smax.u32 s31, $0x1  }
.LBB2_1:
0x24: {  	[tilespmem:s2], [sflag:$0x1] =	stream.linear.gather [hbm4b:s3+s2], $0x10000, $0x38;
	[tilespmem:$0x10580] =	vst v63  }
0x25: {  	_ =	swait.ge [sflag:s6], $0x10000  }
0x26: {  	[sflag:s6] =	ssyncset.done $0x0  }
0x27: {  	s11 =	simm.s32 $0x0;
	v0 =	vimm.s32 $0x0;
	[sflag:s6] =	ssyncadd.s32 $0xFFFF0000  }
.LBB2_2:
0x28: {  	_ = 	snop  }
0x29: {  	s12 =	sshra.s32 s11, $0x2  }
0x2a: {  	[tilespmem:$0x1FCD0] =	vst v0;
	v0 =	vld [tilespmem:s12+$0x0]  }
0x2b: {  	v1 =	vld [tilespmem:s12+$0x10];
	_ =	sdelay $0x3  }
0x2c: {  	[tilespmem:v2+s7+$0x0] =	vst.idx.msk $0xffff, v0  }
0x2d: {  	[tilespmem:v6+s7+$0x0] =	vst.idx.msk $0xffff, v1  }
0x2e: {  	v0 =	vld [tilespmem:s12+$0x80]  }
0x2f: {  	v1 =	vld [tilespmem:s12+$0x90];
	_ =	sdelay $0x3  }
0x30: {  	[tilespmem:v7+s7+$0x0] =	vst.idx.msk $0xffff, v0  }
0x31: {  	[tilespmem:v8+s7+$0x0] =	vst.idx.msk $0xffff, v1  }
0x32: {  	v0 =	vld [tilespmem:s12+$0x100]  }
0x33: {  	v1 =	vld [tilespmem:s12+$0x110];
	_ =	sdelay $0x3  }
0x34: {  	[tilespmem:v9+s7+$0x0] =	vst.idx.msk $0xffff, v0  }
0x35: {  	[tilespmem:v10+s7+$0x0] =	vst.idx.msk $0xffff, v1  }
0x36: {  	v0 =	vld [tilespmem:s12+$0x180]  }
0x37: {  	v1 =	vld [tilespmem:s12+$0x190];
	_ =	sdelay $0x3  }
0x38: {  	[tilespmem:v11+s7+$0x0] =	vst.idx.msk $0xffff, v0  }
0x39: {  	[tilespmem:v12+s7+$0x0] =	vst.idx.msk $0xffff, v1  }
0x3a: {  	v0 =	vld [tilespmem:s12+$0x200]  }
0x3b: {  	v1 =	vld [tilespmem:s12+$0x210];
	_ =	sdelay $0x3  }
0x3c: {  	[tilespmem:v13+s7+$0x0] =	vst.idx.msk $0xffff, v0  }
0x3d: {  	[tilespmem:v14+s7+$0x0] =	vst.idx.msk $0xffff, v1  }
0x3e: {  	v0 =	vld [tilespmem:s12+$0x280]  }
0x3f: {  	v1 =	vld [tilespmem:s12+$0x290];
	_ =	sdelay $0x3  }
0x40: {  	[tilespmem:v15+s7+$0x0] =	vst.idx.msk $0xffff, v0  }
0x41: {  	[tilespmem:v16+s7+$0x0] =	vst.idx.msk $0xffff, v1  }
0x42: {  	v0 =	vld [tilespmem:s12+$0x300]  }
0x43: {  	v1 =	vld [tilespmem:s12+$0x310];
	_ =	sdelay $0x3  }
0x44: {  	[tilespmem:v17+s7+$0x0] =	vst.idx.msk $0xffff, v0  }
0x45: {  	[tilespmem:v18+s7+$0x0] =	vst.idx.msk $0xffff, v1  }
0x46: {  	v0 =	vld [tilespmem:s12+$0x380]  }
0x47: {  	v1 =	vld [tilespmem:s12+$0x390];
	_ =	sdelay $0x3  }
0x48: {  	[tilespmem:v19+s7+$0x0] =	vst.idx.msk $0xffff, v0  }
0x49: {  	[tilespmem:v20+s7+$0x0] =	vst.idx.msk $0xffff, v1  }
0x4a: {  	v0 =	vld [tilespmem:s12+$0x400]  }
0x4b: {  	v1 =	vld [tilespmem:s12+$0x410];
	_ =	sdelay $0x3  }
0x4c: {  	[tilespmem:v25+s7+$0x0] =	vst.idx.msk $0xffff, v0  }
0x4d: {  	[tilespmem:v26+s7+$0x0] =	vst.idx.msk $0xffff, v1  }
0x4e: {  	v0 =	vld [tilespmem:s12+$0x480]  }
0x4f: {  	v1 =	vld [tilespmem:s12+$0x490];
	_ =	sdelay $0x3  }
0x50: {  	[tilespmem:v53+s7+$0x0] =	vst.idx.msk $0xffff, v0  }
0x51: {  	[tilespmem:v63+s7+$0x0] =	vst.idx.msk $0xffff, v1  }
0x52: {  	v0 =	vld [tilespmem:s12+$0x500]  }
0x53: {  	v1 =	vld [tilespmem:s12+$0x510];
	_ =	sdelay $0x3  }
0x54: {  	[tilespmem:v3+s7+$0x0] =	vst.idx.msk $0xffff, v0  }
0x55: {  	[tilespmem:v4+s7+$0x0] =	vst.idx.msk $0xffff, v1  }
0x56: {  	v0 =	vld [tilespmem:s12+$0x580]  }
0x57: {  	v1 =	vld [tilespmem:s12+$0x590];
	_ =	sdelay $0x3  }
0x58: {  	[tilespmem:v5+s7+$0x0] =	vst.idx.msk $0xffff, v0  }
0x59: {  	[tilespmem:v21+s7+$0x0] =	vst.idx.msk $0xffff, v1  }
0x5a: {  	v0 =	vld [tilespmem:s12+$0x600]  }
0x5b: {  	v1 =	vld [tilespmem:s12+$0x610];
	_ =	sdelay $0x3  }
0x5c: {  	[tilespmem:v22+s7+$0x0] =	vst.idx.msk $0xffff, v0  }
0x5d: {  	[tilespmem:v23+s7+$0x0] =	vst.idx.msk $0xffff, v1  }
0x5e: {  	v0 =	vld [tilespmem:s12+$0x680]  }
0x5f: {  	v1 =	vld [tilespmem:s12+$0x690];
	_ =	sdelay $0x3  }
0x60: {  	[tilespmem:v24+s7+$0x0] =	vst.idx.msk $0xffff, v0  }
0x61: {  	[tilespmem:v27+s7+$0x0] =	vst.idx.msk $0xffff, v1  }
0x62: {  	v0 =	vld [tilespmem:s12+$0x700]  }
0x63: {  	v1 =	vld [tilespmem:s12+$0x710];
	_ =	sdelay $0x3  }
0x64: {  	[tilespmem:v28+s7+$0x0] =	vst.idx.msk $0xffff, v0  }
0x65: {  	[tilespmem:v29+s7+$0x0] =	vst.idx.msk $0xffff, v1  }
0x66: {  	v0 =	vld [tilespmem:s12+$0x780]  }
0x67: {  	v1 =	vld [tilespmem:s12+$0x790];
	_ =	sdelay $0x3  }
0x68: {  	[tilespmem:v30+s7+$0x0] =	vst.idx.msk $0xffff, v0  }
0x69: {  	[tilespmem:v31+s7+$0x0] =	vst.idx.msk $0xffff, v1  }
0x6a: {  	v38 =	vld [tilespmem:$0x10000]  }
0x6b: {  	v39 =	vld [tilespmem:$0x10011]  }
0x6c: {  	v46 =	vld [tilespmem:$0x10022]  }
0x6d: {  	v4 =	vld [tilespmem:$0x10033]  }
0x6e: {  	v50 =	vld [tilespmem:$0x10044]  }
0x6f: {  	v54 =	vld [tilespmem:$0x10055]  }
0x70: {  	v35 =	vld [tilespmem:$0x10066]  }
0x71: {  	v57 =	vld [tilespmem:$0x10077]  }
0x72: {  	v58 =	vld [tilespmem:$0x10088]  }
0x73: {  	v36 =	vld [tilespmem:$0x10099]  }
0x74: {  	v59 =	vld [tilespmem:$0x100AA]  }
0x75: {  	v51 =	vld [tilespmem:$0x100BB]  }
0x76: {  	v37 =	vld [tilespmem:$0x100CC]  }
0x77: {  	v60 =	vld [tilespmem:$0x100DD]  }
0x78: {  	v61 =	vld [tilespmem:$0x100EE]  }
0x79: {  	v41 =	vld [tilespmem:$0x100FF]  }
0x7a: {  	v42 =	vld [tilespmem:$0x10110]  }
0x7b: {  	v55 =	vld [tilespmem:$0x10121]  }
0x7c: {  	v52 =	vld [tilespmem:$0x10132]  }
0x7d: {  	v62 =	vld [tilespmem:$0x10143]  }
0x7e: {  	v47 =	vld [tilespmem:$0x10154]  }
0x7f: {  	v48 =	vld [tilespmem:$0x10165]  }
0x80: {  	v49 =	vld [tilespmem:$0x10176]  }
0x81: {  	v27 =	vld [tilespmem:$0x10187]  }
0x82: {  	v28 =	vld [tilespmem:$0x10198]  }
0x83: {  	v3 =	vld [tilespmem:$0x101A9]  }
0x84: {  	v1 =	vld [tilespmem:$0x101BA]  }
0x85: {  	v29 =	vld [tilespmem:$0x101CB]  }
0x86: {  	v0 =	vld [tilespmem:s12+$0x800]  }
0x87: {  	v5 =	vld [tilespmem:s12+$0x810]  }
0x88: {  	v32 =	vld [tilespmem:$0x101DC]  }
0x89: {  	v43 =	vld [tilespmem:$0x101ED]  }
0x8a: {  	v44 =	vld [tilespmem:$0x101FE]  }
0x8b: {  	v45 =	vld [tilespmem:$0x1020F];
	[tilespmem:v2+s8+$0x0] =	vst.idx.msk $0xffff, v0  }
0x8c: {  	[tilespmem:v6+s8+$0x0] =	vst.idx.msk $0xffff, v5  }
0x8d: {  	v0 =	vld [tilespmem:s12+$0x880]  }
0x8e: {  	v5 =	vld [tilespmem:s12+$0x890];
	_ =	sdelay $0x3  }
0x8f: {  	[tilespmem:v7+s8+$0x0] =	vst.idx.msk $0xffff, v0  }
0x90: {  	[tilespmem:v8+s8+$0x0] =	vst.idx.msk $0xffff, v5  }
0x91: {  	v0 =	vld [tilespmem:s12+$0x900]  }
0x92: {  	v5 =	vld [tilespmem:s12+$0x910];
	_ =	sdelay $0x3  }
0x93: {  	[tilespmem:v9+s8+$0x0] =	vst.idx.msk $0xffff, v0  }
0x94: {  	[tilespmem:v10+s8+$0x0] =	vst.idx.msk $0xffff, v5  }
0x95: {  	v0 =	vld [tilespmem:s12+$0x980]  }
0x96: {  	v5 =	vld [tilespmem:s12+$0x990];
	_ =	sdelay $0x3  }
0x97: {  	[tilespmem:v11+s8+$0x0] =	vst.idx.msk $0xffff, v0  }
0x98: {  	[tilespmem:v12+s8+$0x0] =	vst.idx.msk $0xffff, v5  }
0x99: {  	v0 =	vld [tilespmem:s12+$0xA00]  }
0x9a: {  	v5 =	vld [tilespmem:s12+$0xA10];
	_ =	sdelay $0x3  }
0x9b: {  	[tilespmem:v13+s8+$0x0] =	vst.idx.msk $0xffff, v0  }
0x9c: {  	[tilespmem:v14+s8+$0x0] =	vst.idx.msk $0xffff, v5  }
0x9d: {  	v0 =	vld [tilespmem:s12+$0xA80]  }
0x9e: {  	v5 =	vld [tilespmem:s12+$0xA90];
	_ =	sdelay $0x3  }
0x9f: {  	[tilespmem:v15+s8+$0x0] =	vst.idx.msk $0xffff, v0  }
0xa0: {  	[tilespmem:v16+s8+$0x0] =	vst.idx.msk $0xffff, v5  }
0xa1: {  	v0 =	vld [tilespmem:s12+$0xB00]  }
0xa2: {  	v5 =	vld [tilespmem:s12+$0xB10];
	_ =	sdelay $0x3  }
0xa3: {  	[tilespmem:v17+s8+$0x0] =	vst.idx.msk $0xffff, v0  }
0xa4: {  	[tilespmem:v18+s8+$0x0] =	vst.idx.msk $0xffff, v5  }
0xa5: {  	v0 =	vld [tilespmem:s12+$0xB80]  }
0xa6: {  	v5 =	vld [tilespmem:s12+$0xB90];
	_ =	sdelay $0x3  }
0xa7: {  	[tilespmem:v19+s8+$0x0] =	vst.idx.msk $0xffff, v0  }
0xa8: {  	[tilespmem:v20+s8+$0x0] =	vst.idx.msk $0xffff, v5  }
0xa9: {  	v11 =	vld [tilespmem:s12+$0xC00]  }
0xaa: {  	v15 =	vld [tilespmem:s12+$0xC10]  }
0xab: {  	v7 =	vmin.f32 v38, v39;
	v8 =	vmin.f32 v46, v4  }
0xac: {  	v6 =	vmax.f32 v38, v39;
	v31 =	vmax.f32 v7, v8;
	v9 =	vmin.f32 v50, v54  }
0xad: {  	[tilespmem:$0x1FC80] =	vst v27;
	v10 =	vmax.f32 v35, v57;
	v12 =	vmin.f32 v35, v57;
	v13 =	vmax.f32 v58, v36  }
0xae: {  	v14 =	vmin.f32 v58, v36;
	v16 =	vmax.f32 v59, v51;
	[tilespmem:v25+s8+$0x0] =	vst.idx.msk $0xffff, v11  }
0xaf: {  	v0 =	vmax.f32 v46, v4;
	v25 =	vmax.f32 v49, v27;
	[tilespmem:v26+s8+$0x0] =	vst.idx.msk $0xffff, v15  }
0xb0: {  	[tilespmem:$0x1FC90] =	vst v28;
	v15 =	vmin.f32 v49, v27;
	v26 =	vmax.f32 v28, v3;
	v27 =	vmin.f32 v28, v3;
	v28 =	vld [tilespmem:s12+$0xC80]  }
0xb1: {  	v17 =	vmin.f32 v59, v51;
	v5 =	vmax.f32 v50, v54;
	v30 =	vmin.f32 v6, v0;
	v33 =	vld [tilespmem:s12+$0xC90]  }
0xb2: {  	[tilespmem:$0x1FCA0] =	vst v3;
	v3 =	vmax.f32 v6, v0;
	v6 =	vmin.f32 v7, v8;
	v7 =	vmax.f32 v30, v31  }
0xb3: {  	v8 =	vmin.f32 v30, v31;
	v30 =	vmin.f32 v5, v10;
	v31 =	vmax.f32 v9, v12  }
0xb4: {  	v5 =	vmax.f32 v5, v10;
	v9 =	vmin.f32 v9, v12;
	v0 =	vld [tilespmem:$0x1FF40];
	v10 =	vmax.f32 v30, v31  }
0xb5: {  	v12 =	vmin.f32 v30, v31;
	v30 =	vmax.f32 v13, v16;
	[tilespmem:v53+s8+$0x0] =	vst.idx.msk $0xffff, v28  }
0xb6: {  	v13 =	vmin.f32 v13, v16;
	v16 =	vmax.f32 v14, v17;
	[tilespmem:v63+s8+$0x0] =	vst.idx.msk $0xffff, v33  }
0xb7: {  	v14 =	vmin.f32 v14, v17;
	v17 =	vmax.f32 v13, v16;
	v13 =	vmin.f32 v13, v16;
	v16 =	vld [tilespmem:s12+$0xD00];
	_ =	sdelay $0x1  }
0xb8: {  	v34 =	vmin.f32 v37, v60;
	v56 =	vmax.f32 v61, v41;
	v21 =	vmin.f32 v42, v55  }
0xb9: {  	v22 =	vmax.f32 v52, v62;
	v23 =	vmin.f32 v52, v62;
	v24 =	vmax.f32 v47, v48  }
0xba: {  	v2 =	vmov v29;
	[tilespmem:$0x1FCB0] =	vst v29;
	v29 =	vmax.f32 v1, v29;
	v18 =	vmax.f32 v37, v60;
	v33 =	vld [tilespmem:s12+$0xD10]  }
0xbb: {  	v19 =	vmin.f32 v61, v41;
	v20 =	vmax.f32 v42, v55;
	[tilespmem:v0+s8+$0x0] =	vst.idx.msk $0xffff, v16;
	v0 =	vld [tilespmem:$0x1FF50]  }
0xbc: {  	v31 =	vmax.f32 v34, v19;
	v19 =	vmin.f32 v34, v19;
	v28 =	vmax.f32 v18, v56  }
0xbd: {  	v18 =	vmin.f32 v18, v56;
	v53 =	vmin.f32 v1, v2;
	v56 =	vmin.f32 v32, v43  }
0xbe: {  	v34 =	vmax.f32 v18, v31;
	v18 =	vmin.f32 v18, v31;
	v31 =	vmax.f32 v20, v22  }
0xbf: {  	v20 =	vmin.f32 v20, v22;
	v22 =	vmax.f32 v21, v23;
	v21 =	vmin.f32 v21, v23  }
0xc0: {  	v23 =	vmax.f32 v20, v22;
	v20 =	vmin.f32 v20, v22;
	v22 =	vmax.f32 v24, v25  }
0xc1: {  	v16 =	vmin.f32 v24, v25;
	v25 =	vmax.f32 v26, v29;
	v26 =	vmin.f32 v26, v29  }
0xc2: {  	[tilespmem:$0x1FCC0] =	vst v32;
	v29 =	vmax.f32 v27, v53;
	v27 =	vmin.f32 v27, v53;
	v53 =	vmax.f32 v32, v43  }
0xc3: {  	v32 =	vmin.f32 v44, v45;
	[tilespmem:v0+s8+$0x0] =	vst.idx.msk $0xffff, v33;
	v0 =	vmax.f32 v44, v45  }
0xc4: {  	v2 =	vmax.f32 v26, v29;
	v26 =	vmin.f32 v26, v29;
	v29 =	vmax.f32 v53, v0  }
0xc5: {  	v0 =	vmin.f32 v53, v0;
	v53 =	vmax.f32 v56, v32;
	v32 =	vmin.f32 v56, v32;
	v56 =	vld [tilespmem:$0x1FF60]  }
0xc6: {  	v11 =	vmin.f32 v47, v48;
	v63 =	vmov v1;
	v1 =	vmax.f32 v3, v9;
	v9 =	vld [tilespmem:$0x1FF70]  }
0xc7: {  	v24 =	vmax.f32 v11, v15  }
0xc8: {  	v11 =	vmin.f32 v11, v15;
	v15 =	vmax.f32 v16, v24;
	v16 =	vmin.f32 v16, v24;
	v24 =	vld [tilespmem:s12+$0xD80]  }
0xc9: {  	v5 =	vmax.f32 v6, v5;
	v7 =	vmax.f32 v7, v12;
	v33 =	vld [tilespmem:s12+$0xD90]  }
0xca: {  	v8 =	vmax.f32 v8, v10;
	v12 =	vmax.f32 v7, v5  }
0xcb: {  	v5 =	vmin.f32 v7, v5;
	v10 =	vmax.f32 v1, v8;
	v1 =	vmin.f32 v1, v8  }
0xcc: {  	v7 =	vmax.f32 v10, v12;
	v8 =	vmin.f32 v10, v12;
	v12 =	vmax.f32 v17, v18;
	v18 =	vld [tilespmem:$0x1FF80]  }
0xcd: {  	[tilespmem:v56+s8+$0x0] =	vst.idx.msk $0xffff, v24  }
0xce: {  	[tilespmem:v9+s8+$0x0] =	vst.idx.msk $0xffff, v33  }
0xcf: {  	v13 =	vmax.f32 v13, v34;
	v6 =	vld [tilespmem:s12+$0xE00]  }
0xd0: {  	v10 =	vmax.f32 v1, v5;
	v1 =	vmin.f32 v1, v5;
	v5 =	vmax.f32 v30, v19  }
0xd1: {  	v17 =	vmax.f32 v5, v13;
	v5 =	vmin.f32 v5, v13;
	v13 =	vld [tilespmem:$0x1FF90];
	_ =	sdelay $0x1  }
0xd2: {  	v11 =	vmax.f32 v31, v11;
	v16 =	vmax.f32 v23, v16  }
0xd3: {  	v15 =	vmax.f32 v20, v15;
	v24 =	vld [tilespmem:s12+$0xE10];
	[tilespmem:v18+s8+$0x0] =	vst.idx.msk $0xffff, v6;
	v18 =	vmax.f32 v21, v22  }
0xd4: {  	v19 =	vmax.f32 v11, v15;
	v11 =	vmin.f32 v11, v15;
	v15 =	vmax.f32 v16, v18  }
0xd5: {  	v16 =	vmin.f32 v16, v18;
	v18 =	vmax.f32 v19, v15  }
0xd6: {  	v15 =	vmin.f32 v19, v15;
	v19 =	vmax.f32 v11, v16;
	v11 =	vmin.f32 v11, v16;
	v16 =	vld [tilespmem:$0x1FFA0];
	_ =	sdelay $0x1  }
0xd7: {  	v14 =	vmax.f32 v14, v28;
	[tilespmem:v13+s8+$0x0] =	vst.idx.msk $0xffff, v24  }
0xd8: {  	v6 =	vmax.f32 v12, v14;
	v12 =	vmin.f32 v12, v14;
	v14 =	vld [tilespmem:s12+$0xE80];
	_ =	sdelay $0x2  }
0xd9: {  	v13 =	vmax.f32 v17, v6  }
0xda: {  	v6 =	vmin.f32 v17, v6;
	v17 =	vmax.f32 v5, v12;
	v5 =	vmin.f32 v5, v12;
	v12 =	vld [tilespmem:s12+$0xE90]  }
0xdb: {  	[tilespmem:v16+s8+$0x0] =	vst.idx.msk $0xffff, v14;
	v16 =	vld [tilespmem:$0x1FFB0];
	_ =	sdelay $0x5  }
0xdc: {  	v9 =	vmax.f32 v0, v53;
	v0 =	vmin.f32 v0, v53  }
0xdd: {  	v9 =	vmax.f32 v26, v9;
	v0 =	vmax.f32 v2, v0  }
0xde: {  	v2 =	vmax.f32 v27, v29;
	v14 =	vmax.f32 v25, v32;
	[tilespmem:v16+s8+$0x0] =	vst.idx.msk $0xffff, v12  }
0xdf: {  	v12 =	vmax.f32 v14, v9;
	v9 =	vmin.f32 v14, v9;
	v14 =	vmax.f32 v0, v2  }
0xe0: {  	v0 =	vmin.f32 v0, v2;
	v20 =	vmax.f32 v12, v14  }
0xe1: {  	v12 =	vmin.f32 v12, v14;
	v14 =	vmax.f32 v9, v0;
	v0 =	vmin.f32 v9, v0;
	v9 =	vld [tilespmem:$0x1FFC0];
	_ =	sdelay $0x2  }
0xe2: {  	v16 =	vld [tilespmem:s12+$0xF00];
	_ =	sdelay $0x3  }
0xe3: {  	v2 =	vld [tilespmem:s12+$0xF10]  }
0xe4: {  	[tilespmem:v9+s8+$0x0] =	vst.idx.msk $0xffff, v16;
	v9 =	vld [tilespmem:$0x1FFD0];
	_ =	sdelay $0x2  }
0xe5: {  	v5 =	vmax.f32 v7, v5  }
0xe6: {  	v6 =	vmax.f32 v10, v6;
	v7 =	vmax.f32 v8, v17;
	v1 =	vmax.f32 v1, v13  }
0xe7: {  	v8 =	vmax.f32 v5, v6;
	v5 =	vmin.f32 v5, v6;
	v6 =	vmax.f32 v7, v1  }
0xe8: {  	v1 =	vmin.f32 v7, v1;
	v7 =	vmax.f32 v8, v6  }
0xe9: {  	v0 =	vmax.f32 v18, v0;
	v10 =	vmax.f32 v19, v12;
	v11 =	vmax.f32 v11, v20  }
0xea: {  	[tilespmem:v9+s8+$0x0] =	vst.idx.msk $0xffff, v2;
	v2 =	vmin.f32 v8, v6;
	v6 =	vmax.f32 v5, v1  }
0xeb: {  	v9 =	vmax.f32 v15, v14;
	v1 =	vmin.f32 v5, v1;
	v5 =	vmax.f32 v0, v10  }
0xec: {  	v0 =	vmin.f32 v0, v10;
	v13 =	vmax.f32 v9, v11;
	v9 =	vmin.f32 v9, v11  }
0xed: {  	v11 =	vmax.f32 v0, v9;
	v0 =	vmin.f32 v0, v9  }
0xee: {  	v10 =	vmax.f32 v5, v13;
	v5 =	vmin.f32 v5, v13;
	v0 =	vmax.f32 v7, v0;
	v7 =	vld [tilespmem:$0x1FFE0]  }
0xef: {  	v5 =	vmax.f32 v6, v5;
	v6 =	vld [tilespmem:$0x1FFF0]  }
0xf0: {  	v2 =	vmax.f32 v2, v11;
	v1 =	vmax.f32 v1, v10  }
0xf1: {  	v8 =	vld [tilespmem:s12+$0xF80];
	v0 =	vmin.f32 v0, v2;
	v1 =	vmin.f32 v5, v1  }
0xf2: {  	v12 =	vld [tilespmem:s12+$0xF90];
	v2 =	vmin.f32 v0, v1  }
0xf3: {  	vm0 =	vge.f32 v38, v2  }
0xf4: {  	v0 =	vsel vm0, $0x1, v40  }
0xf5: {  	[tilespmem:$0x1FCF0] =	vst v0  }
0xf6: {  	vm6 =	vge.f32 v39, v2;
	[tilespmem:v7+s8+$0x0] =	vst.idx.msk $0xffff, v8  }
0xf7: {  	vm7 =	vge.f32 v46, v2;
	v0 =	vsel vm6, $0x1, v40;
	[tilespmem:v6+s8+$0x0] =	vst.idx.msk $0xffff, v12  }
0xf8: {  	vm1 =	vge.f32 v4, v2;
	[tilespmem:$0x1FCE0] =	vst v0;
	v0 =	vsel vm7, $0x1, v40;
	v5 =	vld [tilespmem:$0x10280]  }
0xf9: {  	vm8 =	vge.f32 v50, v2;
	[tilespmem:$0x1FD00] =	vst v0;
	v0 =	vsel vm1, $0x1, v40;
	v56 =	vld [tilespmem:$0x10291]  }
0xfa: {  	vm9 =	vge.f32 v54, v2;
	[tilespmem:$0x1FD10] =	vst v0;
	v0 =	vsel vm8, $0x1, v40;
	v1 =	vld [tilespmem:$0x102A2]  }
0xfb: {  	vm10 =	vge.f32 v35, v2;
	[tilespmem:$0x1FD20] =	vst v0;
	v0 =	vsel vm9, $0x1, v40;
	v39 =	vld [tilespmem:$0x102B3]  }
0xfc: {  	vm11 =	vge.f32 v57, v2;
	v46 =	vld [tilespmem:$0x102C4];
	[tilespmem:$0x1FD30] =	vst v0;
	v0 =	vsel vm10, $0x1, v40  }
0xfd: {  	vm12 =	vge.f32 v58, v2;
	v50 =	vld [tilespmem:$0x102D5];
	[tilespmem:$0x1FD40] =	vst v0;
	v0 =	vsel vm11, $0x1, v40  }
0xfe: {  	vm13 =	vge.f32 v36, v2;
	v54 =	vld [tilespmem:$0x102E6];
	[tilespmem:$0x1FD50] =	vst v0;
	v0 =	vsel vm12, $0x1, v40  }
0xff: {  	vm14 =	vge.f32 v59, v2;
	v57 =	vld [tilespmem:$0x102F7];
	[tilespmem:$0x1FD60] =	vst v0;
	v0 =	vsel vm13, $0x1, v40  }
0x100: {  	vm15 =	vge.f32 v51, v2;
	v58 =	vld [tilespmem:$0x10308];
	[tilespmem:$0x1FD70] =	vst v0;
	v0 =	vsel vm14, $0x1, v40  }
0x101: {  	vm4 =	vge.f32 v37, v2;
	v59 =	vld [tilespmem:$0x10319];
	[tilespmem:$0x1FD80] =	vst v0;
	v0 =	vsel vm15, $0x1, v40  }
0x102: {  	vm5 =	vge.f32 v60, v2;
	v38 =	vld [tilespmem:$0x1032A];
	[tilespmem:$0x1FD90] =	vst v0;
	v0 =	vsel vm4, $0x1, v40  }
0x103: {  	vm6 =	vge.f32 v61, v2;
	v34 =	vld [tilespmem:$0x1033B];
	[tilespmem:$0x1FDA0] =	vst v0;
	v0 =	vsel vm5, $0x1, v40  }
0x104: {  	vm7 =	vge.f32 v41, v2;
	v19 =	vld [tilespmem:$0x1034C];
	[tilespmem:$0x1FDB0] =	vst v0;
	v0 =	vsel vm6, $0x1, v40  }
0x105: {  	v18 =	vld [tilespmem:$0x1035D];
	[tilespmem:$0x1FDC0] =	vst v0;
	v0 =	vsel vm7, $0x1, v40  }
0x106: {  	[tilespmem:$0x1FDD0] =	vst v0;
	v0 =	vld [tilespmem:$0x1FC80]  }
0x107: {  	v17 =	vld [tilespmem:$0x1036E]  }
0x108: {  	v16 =	vld [tilespmem:$0x1037F]  }
0x109: {  	vm2 =	vge.f32 v43, v2;
	vm0 =	vge.f32 v45, v2;
	v15 =	vld [tilespmem:$0x10390]  }
0x10a: {  	vm1 =	vge.f32 v44, v2;
	vm9 =	vge.f32 v48, v2;
	vm10 =	vge.f32 v49, v2;
	v36 =	vld [tilespmem:$0x103A1]  }
0x10b: {  	vm11 =	vge.f32 v62, v2;
	vm12 =	vge.f32 v47, v2;
	vm8 =	vge.f32 v0, v2;
	v0 =	vld [tilespmem:$0x1FC90]  }
0x10c: {  	v37 =	vld [tilespmem:$0x103B2];
	vm13 =	vge.f32 v55, v2;
	vm14 =	vge.f32 v52, v2;
	vm15 =	vge.f32 v42, v2  }
0x10d: {  	v35 =	vld [tilespmem:$0x103C3];
	v3 =	vmin.f32 v5, v56;
	v4 =	vmax.f32 v1, v39;
	v20 =	vmin.f32 v1, v39  }
0x10e: {  	v21 =	vmax.f32 v46, v50;
	v22 =	vmin.f32 v46, v50;
	v23 =	vmax.f32 v54, v57  }
0x10f: {  	v24 =	vmin.f32 v54, v57;
	v25 =	vmax.f32 v58, v59;
	v26 =	vmin.f32 v58, v59  }
0x110: {  	v27 =	vmax.f32 v38, v34;
	v28 =	vmin.f32 v38, v34;
	vm7 =	vge.f32 v0, v2;
	v0 =	vld [tilespmem:$0x1FCA0]  }
0x111: {  	v29 =	vmax.f32 v19, v18;
	v30 =	vmin.f32 v19, v18;
	v31 =	vmax.f32 v17, v16  }
0x112: {  	v49 =	vmin.f32 v17, v16;
	v33 =	vmax.f32 v15, v36;
	v60 =	vmax.f32 v37, v35  }
0x113: {  	v14 =	vld [tilespmem:$0x103D4];
	v61 =	vmax.f32 v3, v20;
	v20 =	vmin.f32 v3, v20;
	v9 =	vmax.f32 v21, v23  }
0x114: {  	v13 =	vld [tilespmem:$0x103E5];
	v23 =	vmin.f32 v21, v23;
	v62 =	vmax.f32 v22, v24;
	v22 =	vmin.f32 v22, v24  }
0x115: {  	v12 =	vmax.f32 v25, v27;
	v25 =	vmin.f32 v25, v27;
	vm6 =	vge.f32 v0, v2;
	v0 =	vld [tilespmem:$0x1FCB0]  }
0x116: {  	v41 =	vld [tilespmem:$0x10407];
	v27 =	vmax.f32 v26, v28;
	v26 =	vmin.f32 v26, v28;
	vm5 =	vge.f32 v63, v2  }
0x117: {  	v44 =	vld [tilespmem:$0x1043A];
	v24 =	vmax.f32 v23, v62;
	v23 =	vmin.f32 v23, v62;
	v28 =	vmax.f32 v25, v27  }
0x118: {  	v45 =	vld [tilespmem:$0x1044B];
	v25 =	vmin.f32 v25, v27;
	v27 =	vmax.f32 v29, v31;
	v29 =	vmin.f32 v29, v31  }
0x119: {  	v21 =	vld [tilespmem:$0x103F6];
	v31 =	vmax.f32 v30, v49;
	v30 =	vmin.f32 v30, v49;
	v63 =	vmin.f32 v37, v35  }
0x11a: {  	v49 =	vmax.f32 v33, v60;
	v33 =	vmin.f32 v33, v60;
	vm4 =	vge.f32 v0, v2;
	v0 =	vld [tilespmem:$0x1FCC0]  }
0x11b: {  	v32 =	vmax.f32 v29, v31;
	v29 =	vmin.f32 v29, v31;
	v31 =	vmin.f32 v15, v36  }
0x11c: {  	v43 =	vld [tilespmem:$0x10429];
	v9 =	vmax.f32 v20, v9;
	v52 =	vmax.f32 v31, v63;
	v31 =	vmin.f32 v31, v63  }
0x11d: {  	v42 =	vld [tilespmem:$0x10418];
	v63 =	vmax.f32 v44, v45;
	v8 =	vmax.f32 v33, v52;
	v7 =	vmin.f32 v33, v52  }
0x11e: {  	v52 =	vmax.f32 v14, v13;
	v55 =	vmax.f32 v21, v41;
	v60 =	vmin.f32 v21, v41  }
0x11f: {  	v6 =	vmax.f32 v52, v55;
	vm3 =	vge.f32 v0, v2;
	v2 =	vmax.f32 v5, v56  }
0x120: {  	v6 =	vmax.f32 v31, v6;
	v0 =	vmin.f32 v14, v13;
	v53 =	vmax.f32 v2, v4  }
0x121: {  	[tilespmem:$0x1FDF0] =	vst v1;
	v4 =	vmin.f32 v2, v4;
	v1 =	vmax.f32 v0, v60;
	v3 =	vmin.f32 v0, v60  }
0x122: {  	v48 =	vld [tilespmem:$0x1045C];
	v60 =	vmax.f32 v42, v43;
	v0 =	vmin.f32 v42, v43;
	v10 =	vmax.f32 v4, v61  }
0x123: {  	v33 =	vld [tilespmem:$0x1046D];
	v11 =	vmin.f32 v4, v61;
	v61 =	vmin.f32 v52, v55;
	v55 =	vmin.f32 v44, v45  }
0x124: {  	v22 =	vmax.f32 v53, v22;
	v3 =	vmax.f32 v49, v3;
	v2 =	vmax.f32 v61, v1  }
0x125: {  	v1 =	vmin.f32 v61, v1;
	v61 =	vmin.f32 v60, v63;
	v51 =	vmax.f32 v0, v55  }
0x126: {  	[tilespmem:$0x1FDE0] =	vst v5;
	v60 =	vmax.f32 v60, v63;
	v5 =	vmin.f32 v0, v55;
	v10 =	vmax.f32 v10, v23  }
0x127: {  	v11 =	vmax.f32 v11, v24;
	v23 =	vmax.f32 v25, v32;
	v24 =	vmax.f32 v26, v27  }
0x128: {  	v55 =	vmax.f32 v61, v51;
	v51 =	vmin.f32 v61, v51;
	v61 =	vmax.f32 v48, v33  }
0x129: {  	v20 =	vmax.f32 v22, v11;
	v11 =	vmin.f32 v22, v11;
	v22 =	vmax.f32 v10, v9  }
0x12a: {  	v9 =	vmin.f32 v10, v9;
	v1 =	vmax.f32 v8, v1;
	v2 =	vmax.f32 v7, v2  }
0x12b: {  	v47 =	vld [tilespmem:$0x1047E];
	v10 =	vmax.f32 v20, v22;
	v20 =	vmin.f32 v20, v22;
	v22 =	vmax.f32 v11, v9  }
0x12c: {  	v52 =	vld [tilespmem:$0x1048F];
	v9 =	vmin.f32 v11, v9;
	v11 =	vmax.f32 v12, v30;
	v12 =	vmax.f32 v28, v29  }
0x12d: {  	v7 =	vmax.f32 v3, v2;
	v2 =	vmin.f32 v3, v2;
	v3 =	vmax.f32 v1, v6  }
0x12e: {  	v1 =	vmin.f32 v1, v6;
	v25 =	vmax.f32 v11, v23;
	v11 =	vmin.f32 v11, v23  }
0x12f: {  	v23 =	vmax.f32 v12, v24;
	v12 =	vmin.f32 v12, v24;
	v6 =	vmax.f32 v7, v3  }
0x130: {  	v8 =	vld [tilespmem:$0x1FCE0];
	v3 =	vmin.f32 v7, v3;
	v7 =	vmax.f32 v2, v1;
	v1 =	vmin.f32 v2, v1  }
0x131: {  	v2 =	vld [tilespmem:$0x1FCD0];
	v63 =	vmax.f32 v47, v52;
	v24 =	vmax.f32 v25, v23;
	v23 =	vmin.f32 v25, v23  }
0x132: {  	v25 =	vmax.f32 v11, v12;
	v11 =	vmin.f32 v11, v12;
	v12 =	vld [tilespmem:$0x1FCF0];
	v4 =	vmax.f32 v61, v63  }
0x133: {  	v4 =	vmax.f32 v5, v4;
	v5 =	vld [tilespmem:$0x1FD00]  }
0x134: {  	v0 =	vmin.f32 v48, v33;
	v62 =	vmin.f32 v47, v52  }
0x135: {  	v61 =	vmin.f32 v61, v63;
	v63 =	vmax.f32 v0, v62  }
0x136: {  	v0 =	vmin.f32 v0, v62;
	v62 =	vmax.f32 v61, v63;
	v2 =	vadd.s32 v8, v2  }
0x137: {  	v0 =	vmax.f32 v60, v0;
	v2 =	vadd.s32 v12, v2;
	v12 =	vmax.f32 v51, v62  }
0x138: {  	v2 =	vadd.s32 v5, v2;
	v5 =	vmax.f32 v0, v12;
	v0 =	vmin.f32 v0, v12;
	v12 =	vld [tilespmem:$0x1FD10];
	_ =	sdelay $0x2  }
0x139: {  	v61 =	vmin.f32 v61, v63  }
0x13a: {  	v8 =	vmax.f32 v55, v61  }
0x13b: {  	v2 =	vadd.s32 v12, v2;
	v12 =	vmax.f32 v8, v4;
	v4 =	vmin.f32 v8, v4;
	v8 =	vld [tilespmem:$0x1FD20];
	_ =	sdelay $0x4  }
0x13c: {  	v2 =	vadd.s32 v8, v2;
	v8 =	vmax.f32 v5, v12;
	v5 =	vmin.f32 v5, v12;
	v12 =	vld [tilespmem:$0x1FD30];
	_ =	sdelay $0x4  }
0x13d: {  	v2 =	vadd.s32 v12, v2;
	v12 =	vmax.f32 v0, v4;
	v0 =	vmin.f32 v0, v4;
	v4 =	vld [tilespmem:$0x1FD40];
	_ =	sdelay $0x4  }
0x13e: {  	v2 =	vadd.s32 v4, v2;
	v4 =	vmax.f32 v10, v11;
	v11 =	vld [tilespmem:$0x1FD50]  }
0x13f: {  	v10 =	vmax.f32 v20, v25;
	v20 =	vld [tilespmem:$0x1FD60];
	_ =	sdelay $0x3  }
0x140: {  	v2 =	vadd.s32 v11, v2;
	v11 =	vmax.f32 v22, v23  }
0x141: {  	v2 =	vadd.s32 v20, v2;
	v20 =	vmax.f32 v4, v11;
	v4 =	vmin.f32 v4, v11;
	v11 =	vld [tilespmem:$0x1FD70];
	_ =	sdelay $0x3  }
0x142: {  	v9 =	vmax.f32 v9, v24  }
0x143: {  	v2 =	vadd.s32 v11, v2;
	v11 =	vmax.f32 v10, v9;
	v9 =	vmin.f32 v10, v9;
	v10 =	vld [tilespmem:$0x1FD80];
	_ =	sdelay $0x4  }
0x144: {  	v2 =	vadd.s32 v10, v2;
	v10 =	vmax.f32 v20, v11;
	v11 =	vmin.f32 v20, v11;
	v20 =	vld [tilespmem:$0x1FD90]  }
0x145: {  	v62 =	vld [tilespmem:$0x1FDA0]  }
0x146: {  	v0 =	vmax.f32 v6, v0;
	v6 =	vld [tilespmem:$0x1FDB0];
	_ =	sdelay $0x2  }
0x147: {  	v2 =	vadd.s32 v20, v2  }
0x148: {  	v2 =	vadd.s32 v62, v2  }
0x149: {  	v2 =	vadd.s32 v6, v2;
	v6 =	vld [tilespmem:$0x1FDC0]  }
0x14a: {  	v5 =	vmax.f32 v7, v5;
	v7 =	vld [tilespmem:$0x1FDD0];
	_ =	sdelay $0x3  }
0x14b: {  	v1 =	vmax.f32 v1, v8;
	v3 =	vmax.f32 v3, v12;
	v2 =	vadd.s32 v6, v2  }
0x14c: {  	v6 =	vsel vm15, $0x1, v40;
	v2 =	vadd.s32 v7, v2;
	v7 =	vmax.f32 v0, v5  }
0x14d: {  	v0 =	vmin.f32 v0, v5;
	v5 =	vsel vm13, $0x1, v40;
	v2 =	vadd.s32 v6, v2  }
0x14e: {  	v6 =	vsel vm14, $0x1, v40;
	v2 =	vadd.s32 v5, v2;
	v5 =	vmax.f32 v3, v1  }
0x14f: {  	v1 =	vmin.f32 v3, v1;
	v3 =	vsel vm11, $0x1, v40;
	v2 =	vadd.s32 v6, v2  }
0x150: {  	v6 =	vsel vm12, $0x1, v40;
	v2 =	vadd.s32 v3, v2;
	v3 =	vmax.f32 v7, v5  }
0x151: {  	v5 =	vmin.f32 v7, v5;
	v2 =	vadd.s32 v6, v2;
	v6 =	vsel vm9, $0x1, v40  }
0x152: {  	v7 =	vsel vm10, $0x1, v40;
	v2 =	vadd.s32 v6, v2;
	v6 =	vmax.f32 v0, v1  }
0x153: {  	v0 =	vmin.f32 v0, v1;
	v1 =	vadd.s32 v7, v2;
	v2 =	vsel vm8, $0x1, v40  }
0x154: {  	v1 =	vadd.s32 v2, v1;
	v2 =	vsel vm7, $0x1, v40  }
0x155: {  	v1 =	vadd.s32 v2, v1;
	v2 =	vsel vm6, $0x1, v40  }
0x156: {  	v1 =	vadd.s32 v2, v1;
	v2 =	vsel vm5, $0x1, v40  }
0x157: {  	v1 =	vadd.s32 v2, v1;
	v2 =	vsel vm4, $0x1, v40  }
0x158: {  	v1 =	vadd.s32 v2, v1;
	v2 =	vsel vm3, $0x1, v40  }
0x159: {  	v1 =	vadd.s32 v2, v1;
	v2 =	vsel vm2, $0x1, v40  }
0x15a: {  	v1 =	vadd.s32 v2, v1;
	v2 =	vsel vm1, $0x1, v40  }
0x15b: {  	v20 =	vmax.f32 v4, v9;
	v1 =	vadd.s32 v2, v1;
	v2 =	vsel vm0, $0x1, v40  }
0x15c: {  	v4 =	vmin.f32 v4, v9;
	v5 =	vmax.f32 v20, v5;
	v1 =	vadd.s32 v2, v1;
	v2 =	vld [tilespmem:$0x1FDE0]  }
0x15d: {  	v3 =	vmax.f32 v4, v3;
	v0 =	vmax.f32 v10, v0;
	v6 =	vmax.f32 v11, v6  }
0x15e: {  	v3 =	vmin.f32 v5, v3;
	v0 =	vmin.f32 v0, v6  }
0x15f: {  	v0 =	vmin.f32 v0, v3  }
0x160: {  	vm8 =	vge.f32 v56, v0  }
0x161: {  	vm9 =	vge.f32 v2, v0;
	v2 =	vsel vm8, $0x1, v40  }
0x162: {  	v1 =	vadd.s32 v2, v1;
	v2 =	vld [tilespmem:$0x1FDF0];
	_ =	sdelay $0x4  }
0x163: {  	v31 =	vld [tilespmem:$0x1FFF0];
	vm10 =	vge.f32 v2, v0;
	v2 =	vsel vm9, $0x1, v40  }
0x164: {  	v53 =	vld [tilespmem:$0x1FF20];
	vm11 =	vge.f32 v39, v0;
	v1 =	vadd.s32 v2, v1;
	v2 =	vsel vm10, $0x1, v40  }
0x165: {  	v27 =	vld [tilespmem:$0x1FFB0];
	vm12 =	vge.f32 v46, v0;
	v1 =	vadd.s32 v2, v1;
	v2 =	vsel vm11, $0x1, v40  }
0x166: {  	v26 =	vld [tilespmem:$0x1FF10];
	vm13 =	vge.f32 v50, v0;
	v1 =	vadd.s32 v2, v1;
	v2 =	vsel vm12, $0x1, v40  }
0x167: {  	v30 =	vld [tilespmem:$0x1FFE0];
	vm14 =	vge.f32 v54, v0;
	v1 =	vadd.s32 v2, v1;
	v2 =	vsel vm13, $0x1, v40  }
0x168: {  	v29 =	vld [tilespmem:$0x1FFD0];
	vm15 =	vge.f32 v57, v0;
	v1 =	vadd.s32 v2, v1;
	v2 =	vsel vm14, $0x1, v40  }
0x169: {  	v28 =	vld [tilespmem:$0x1FFC0];
	vm4 =	vge.f32 v58, v0;
	v1 =	vadd.s32 v2, v1;
	v2 =	vsel vm15, $0x1, v40  }
0x16a: {  	v24 =	vld [tilespmem:$0x1FFA0];
	vm5 =	vge.f32 v59, v0;
	v1 =	vadd.s32 v2, v1;
	v2 =	vsel vm4, $0x1, v40  }
0x16b: {  	v63 =	vld [tilespmem:$0x1FF30];
	vm6 =	vge.f32 v38, v0;
	v1 =	vadd.s32 v2, v1;
	v2 =	vsel vm5, $0x1, v40  }
0x16c: {  	v8 =	vld [tilespmem:$0x1FE30];
	vm7 =	vge.f32 v34, v0;
	v1 =	vadd.s32 v2, v1;
	v2 =	vsel vm6, $0x1, v40  }
0x16d: {  	v12 =	vld [tilespmem:$0x1FE70];
	vm8 =	vge.f32 v19, v0;
	v1 =	vadd.s32 v2, v1;
	v2 =	vsel vm7, $0x1, v40  }
0x16e: {  	v25 =	vld [tilespmem:$0x1FF00];
	vm9 =	vge.f32 v18, v0;
	v1 =	vadd.s32 v2, v1;
	v2 =	vsel vm8, $0x1, v40  }
0x16f: {  	v23 =	vld [tilespmem:$0x1FF90];
	vm10 =	vge.f32 v17, v0;
	v1 =	vadd.s32 v2, v1;
	v2 =	vsel vm9, $0x1, v40  }
0x170: {  	v22 =	vld [tilespmem:$0x1FF80];
	vm11 =	vge.f32 v16, v0;
	v1 =	vadd.s32 v2, v1;
	v2 =	vsel vm10, $0x1, v40  }
0x171: {  	v9 =	vld [tilespmem:$0x1FE40];
	vm12 =	vge.f32 v15, v0;
	v1 =	vadd.s32 v2, v1;
	v2 =	vsel vm11, $0x1, v40  }
0x172: {  	v20 =	vld [tilespmem:$0x1FEF0];
	vm13 =	vge.f32 v36, v0;
	v1 =	vadd.s32 v2, v1;
	v2 =	vsel vm12, $0x1, v40  }
0x173: {  	v4 =	vld [tilespmem:$0x1FF50];
	vm14 =	vge.f32 v37, v0;
	v1 =	vadd.s32 v2, v1;
	v2 =	vsel vm13, $0x1, v40  }
0x174: {  	v5 =	vld [tilespmem:$0x1FF60];
	vm15 =	vge.f32 v35, v0;
	v1 =	vadd.s32 v2, v1;
	v2 =	vsel vm14, $0x1, v40  }
0x175: {  	v7 =	vld [tilespmem:$0x1FE20];
	vm4 =	vge.f32 v14, v0;
	v1 =	vadd.s32 v2, v1;
	v2 =	vsel vm15, $0x1, v40  }
0x176: {  	v10 =	vld [tilespmem:$0x1FE50];
	vm5 =	vge.f32 v13, v0;
	v1 =	vadd.s32 v2, v1;
	v2 =	vsel vm4, $0x1, v40  }
0x177: {  	v11 =	vld [tilespmem:$0x1FE60];
	vm6 =	vge.f32 v21, v0;
	v1 =	vadd.s32 v2, v1;
	v2 =	vsel vm5, $0x1, v40  }
0x178: {  	v6 =	vld [tilespmem:$0x1FE10];
	vm7 =	vge.f32 v41, v0;
	v1 =	vadd.s32 v2, v1;
	v2 =	vsel vm6, $0x1, v40  }
0x179: {  	v3 =	vld [tilespmem:$0x1FF40];
	vm8 =	vge.f32 v42, v0;
	v1 =	vadd.s32 v2, v1;
	v2 =	vsel vm7, $0x1, v40  }
0x17a: {  	v19 =	vld [tilespmem:$0x1FEE0];
	vm9 =	vge.f32 v43, v0;
	v1 =	vadd.s32 v2, v1;
	v2 =	vsel vm8, $0x1, v40  }
0x17b: {  	v18 =	vld [tilespmem:$0x1FED0];
	vm10 =	vge.f32 v44, v0;
	v1 =	vadd.s32 v2, v1;
	v2 =	vsel vm9, $0x1, v40  }
0x17c: {  	v17 =	vld [tilespmem:$0x1FEC0];
	vm11 =	vge.f32 v45, v0;
	v1 =	vadd.s32 v2, v1;
	v2 =	vsel vm10, $0x1, v40  }
0x17d: {  	p0 =	sne.s32 s11, $0x3C000;
	v16 =	vld [tilespmem:$0x1FEB0];
	vm12 =	vge.f32 v48, v0;
	v1 =	vadd.s32 v2, v1;
	v2 =	vsel vm11, $0x1, v40  }
.Ltmp0:
0x17e: {  	v15 =	vld [tilespmem:$0x1FEA0];
	vm13 =	vge.f32 v33, v0;
	v1 =	vadd.s32 v2, v1;
	v2 =	vsel vm12, $0x1, v40;
	(pc) =	sbr.rel @p0 .LBB2_2-.Ltmp0, $4  }
0x17f: {  	v14 =	vld [tilespmem:$0x1FE90];
	vm14 =	vge.f32 v47, v0;
	v1 =	vadd.s32 v2, v1;
	v2 =	vsel vm13, $0x1, v40  }
0x180: {  	v13 =	vld [tilespmem:$0x1FE80];
	vm15 =	vge.f32 v52, v0;
	v0 =	vadd.s32 v2, v1;
	v1 =	vsel vm14, $0x1, v40  }
0x181: {  	v21 =	vld [tilespmem:$0x1FF70];
	v0 =	vadd.s32 v1, v0;
	v1 =	vsel vm15, $0x1, v40  }
0x182: {  	s11 =	sadd.s32 $0x4000, s11;
	v2 =	vld [tilespmem:$0x1FE00];
	v0 =	vadd.s32 v1, v0  }
0x183: {  	s10 =	sadd.s32 $0x1, s10  }
0x184: {  	p0 =	sne.s32 s10, s5  }
.Ltmp1:
0x185: {  	[tilespmem:$0x10500] =	vst v0;
	(pc) =	sbr.rel @p0 .LBB2_1-.Ltmp1, $4  }
0x186: {  	[hbm4b:s4+s2] =	stream.linear.scatter [tilespmem:s9], [sflag:$0x1], $0x80, $0x38;
	[tilespmem:$0x10580] =	vst v63  }
0x187: {  	_ =	swait.ge [sflag:s6], $0x80  }
0x188: {  	[sflag:s6] =	ssyncset.done $0x0  }
0x189: {  	[sflag:s6] =	ssyncadd.s32 $0xFFFFFF80  }
0x18a: {  	_ =	sfence.sel $0x180000  }
0x18b: {  	[bflag:$0x0] =	sbarrier.arrive $0xFFFF  }
0x18c: {  	p0 =	sne.s32 s1, $0x0;
	_ =	strace $0x90000047  }
0x18d: {  	s0 =	sadd.s32 @!p0 $0x100000, s0;
	[bflag:$0x2] =	sbarrier.arrive $0xFFFF  }
0x18e: {  	[sflag:s0] =	ssyncadd.tile.s32 @!p0 $0x1;
	_ =	shalt  }
.Lfunc_end2:
_tile_overlayer_lowered:
.L_overlay_start_2:
0x18f: {  	(tag) =	ssettag $0x2  }
0x190: {  	s0 =	rddreg [dreg:$0x0];
	s2 =	stileid.u32  }
0x191: {  	s1 =	rddreg [dreg:$0x1];
	p0 =	sne.s32 s2, $0x0  }
0x192: {  	s3 =	rddreg [dreg:$0x2];
	[bflag:$0x3] =	sbarrier.arrive $0xFFFF;
	s2 =	simm.s32 @!p0 $0x1C01  }
0x193: {  	[timem:s3], [sflag:s2] =	dma.local @!p0 [hbm:s0], s1  }
0x194: {  	s0 =	simm.s32 @!p0 $0x1  }
0x195: {  	_ =	swait.ge @!p0 [sflag:s0], s1  }
0x196: {  	s1 =	ssub.s32 @!p0 $0x0, s1;
	[sflag:s0] =	ssyncset.done @!p0 $0x0  }
0x197: {  	[sflag:s0] =	ssyncadd.s32 @!p0 s1  }
0x198: {  	[bflag:$0x3] =	sbarrier.arrive $0xFFFF  }
0x199: {  	_ =	shalt  }

</sc_bundles>
